<compile_context>
chip_gen: v7x
topology: tpu7x:2x2x1
jax: 0.10.2.dev20260603
libtpu: 0.0.44.dev20260713+nightly
codegen_flags: <defaults>
</compile_context>

<pallas_src>
import functools
import math

import jax
import jax.numpy as jnp
from jax.experimental import pallas as pl
from jax.experimental.pallas import tpu as pltpu
from jax.experimental.pallas import tpu_sc as plsc

_SQRT2 = math.sqrt(2.0)
_INTERPRET = False


def _gelu_exact(x):
    return 0.5 * x * (1.0 + jax.lax.erf(x / _SQRT2))


def _router_math(brs, w1_ref, b1_ref, g_ref, be_ref, w2_ref, b2_ref,
                 nbt, ne, bs_, max_tok, bwb, take_cap, thr, ms):
    h1 = jnp.dot(brs, w1_ref[...], preferred_element_type=jnp.float32) + b1_ref[...]
    m = jnp.mean(h1, axis=-1, keepdims=True)
    v = jnp.mean((h1 - m) ** 2, axis=-1, keepdims=True)
    ln = (h1 - m) / jnp.sqrt(v + 1e-5) * g_ref[...] + be_ref[...]
    hg = _gelu_exact(ln)
    logits = jnp.dot(hg, w2_ref[...], preferred_element_type=jnp.float32) + b2_ref[...]
    mx = jnp.max(logits, axis=-1, keepdims=True)
    ex = jnp.exp(logits - mx)
    probs = ex / jnp.sum(ex, axis=-1, keepdims=True)

    p = probs + 1e-10
    ent = -jnp.sum(p * jnp.log(p), axis=-1, keepdims=True) / math.log(ne)
    mask1 = ent > thr

    wv = jnp.max(probs, axis=-1, keepdims=True)
    col = jax.lax.broadcasted_iota(jnp.int32, (nbt, ne), 1)
    ei = jnp.min(jnp.where(probs >= wv, col, ne), axis=-1, keepdims=True)
    ow = jnp.where(col == ei, wv, 0.0)

    total_high = jnp.sum(mask1.astype(jnp.float32))
    riota = jax.lax.broadcasted_iota(jnp.int32, (nbt, 1), 0)
    cur = jnp.where(mask1, ent, -1e30)
    for _ in range(bwb - 1):
        m1 = jnp.max(cur)
        first = jnp.min(jnp.where(cur >= m1, riota, nbt))
        cur = jnp.where(riota == first, -1e30, cur)
    thr_adj = jnp.max(cur)
    adjust = ((total_high * bs_ > max_tok) & (total_high > 0)
              & (total_high > bwb))
    mask2 = jnp.where(adjust, (ent > thr_adj).astype(jnp.float32),
                      mask1.astype(jnp.float32)) > 0.5

    rf = mask2.astype(jnp.float32)
    r0 = jax.lax.broadcasted_iota(jnp.int32, (nbt, nbt), 0)
    r1 = jax.lax.broadcasted_iota(jnp.int32, (nbt, nbt), 1)
    tri = (r1 <= r0).astype(jnp.float32)
    cum = jnp.dot(tri, rf, preferred_element_type=jnp.float32)
    cx = cum - rf

    takeb = mask2 & (cx < take_cap)
    fallb = mask2 & jnp.logical_not(takeb)

    rows = jnp.where(fallb | jnp.logical_not(mask1), ow, 0.0)
    riota_f = riota.astype(jnp.float32)
    siota = jax.lax.broadcasted_iota(jnp.int32, (nbt, ms), 1).astype(jnp.float32)
    sel_ms = takeb & (cx == siota)
    idx = jnp.sum(jnp.where(sel_ms, riota_f, 0.0), axis=0,
                  keepdims=True).astype(jnp.int32)
    act = jnp.sum(sel_ms.astype(jnp.float32), axis=0,
                  keepdims=True).astype(jnp.int32)
    sentinel = jnp.min(jnp.where(takeb, nbt, riota)).astype(jnp.int32)
    idx_sc = jnp.where(act > 0, idx, sentinel)
    return rows, idx, act, idx_sc


def _stage_a_body(nbt, ne, bs_, max_tok, bwb, take_cap, thr, ms,
                  x_ref, w1_ref, b1_ref, g_ref, be_ref, w2_ref, b2_ref,
                  rows_ref, idx_ref, act_ref, idxsc_ref, brs):
    i = pl.program_id(0)
    brs[pl.ds(i, 1), :] = jnp.mean(x_ref[0], axis=0, keepdims=True)

    @pl.when(i == nbt - 1)
    def _():
        rows, idx, act, idx_sc = _router_math(
            brs[...], w1_ref, b1_ref, g_ref, be_ref, w2_ref, b2_ref,
            nbt, ne, bs_, max_tok, bwb, take_cap, thr, ms)
        rows_ref[...] = rows
        idx_ref[...] = idx
        act_ref[...] = act
        idxsc_ref[...] = idx_sc


def _sc_fill_body(nc, half_tok, rows_hbm, out_hbm, rowbuf, blockbuf):
    c = jax.lax.axis_index("c")
    s = jax.lax.axis_index("s")
    wid = s * nc + c
    b = wid // 2
    half = wid - 2 * b
    pltpu.sync_copy(rows_hbm.at[b], rowbuf)
    row = rowbuf[...]

    def body(t, carry):
        blockbuf[t] = row
        return carry

    jax.lax.fori_loop(0, half_tok, body, 0)
    pltpu.sync_copy(blockbuf, out_hbm.at[b, pl.ds(half * half_tok, half_tok)])


def _scatter_body(ms, bs_, ne, idxsc_ref, act_ref, rows_ref, tl_ref, rwf_ref,
                  o_ref):
    s = pl.program_id(0)
    rowb = rows_ref[pl.ds(idxsc_ref[s], 1), :]
    filled = jnp.where(act_ref[s] > 0, tl_ref[...],
                       jnp.broadcast_to(rowb, (bs_, ne)))
    o_ref[...] = filled[None]


def _stage_b_body(kti, ms, nbt, bs_, ne, denom, idx_ref, act_ref, *refs):
    x_refs = refs[:ms]
    w1_ref, b1_ref, w2_ref, b2_ref, rows_ref, tl_ref, aux_ref, acc = refs[ms:]
    k = pl.program_id(0)

    @pl.when(k == 0)
    def _():
        acc[...] = jnp.zeros_like(acc)

    x = jnp.concatenate([r[0] for r in x_refs], axis=0)
    acc[...] += jnp.dot(x, w1_ref[...], preferred_element_type=jnp.float32)

    @pl.when(k == kti - 1)
    def _():
        h = _gelu_exact(acc[...] + b1_ref[...])
        lo = jnp.dot(h, w2_ref[...], preferred_element_type=jnp.float32) + b2_ref[...]
        mx = jnp.max(lo, axis=-1, keepdims=True)
        exl = jnp.exp(lo - mx)
        tl = exl / jnp.sum(exl, axis=-1, keepdims=True)
        tl_ref[...] = tl

        rows = rows_ref[...]
        usage = jnp.sum(rows, axis=0, keepdims=True) * bs_
        for s in range(ms):
            tls = tl[s * bs_:(s + 1) * bs_]
            usage = usage + jnp.where(
                act_ref[s] > 0,
                jnp.sum(tls, axis=0, keepdims=True),
                jnp.zeros((1, ne), jnp.float32))
        usage = usage / denom
        t = 1.0 / ne
        aux_ref[...] = jnp.sum(t * jnp.log(t / (usage + 1e-10)),
                               keepdims=True).reshape(1, 1)


def kernel(hidden_states, bw1, bb1, ln_g, ln_b, bw2, bb2, tw1, tb1, tw2, tb2):
    B, S, H = hidden_states.shape
    NE = bw2.shape[1]
    BRD = bw1.shape[1]
    H2 = tw1.shape[1]

    if S <= 4096:
        bs_, thr, budget = 512, 0.6, 0.3
    elif S <= 16384:
        bs_, thr, budget = min(1024, 2048), 0.6 * 1.1, 0.3 * 0.7
    else:
        sf = min(S / 16384, 4)
        bs_, thr, budget = min(int(512 * sf), 2048), 0.6 * 1.2, 0.3 * (1.0 / sf)
    nb = (S + bs_ - 1) // bs_
    padded = nb * bs_
    hs = hidden_states
    if padded > S:
        hs = jnp.concatenate([hs, jnp.zeros((B, padded - S, H), hs.dtype)], axis=1)
    NBT = B * nb
    hs3 = hs.reshape(NBT, bs_, H)

    max_tok = int(S * budget)
    bwb = max(1, max_tok // bs_)
    take_cap = max_tok // bs_
    MS = max(take_cap, 1)

    f32 = jnp.float32
    bb1r = bb1.reshape(1, -1)
    ln_gr = ln_g.reshape(1, -1)
    ln_br = ln_b.reshape(1, -1)
    bb2r = bb2.reshape(1, -1)
    tb1r = tb1.reshape(1, -1)
    tb2r = tb2.reshape(1, -1)

    rows, idx_i, act_i, idxsc_i = pl.pallas_call(
        functools.partial(_stage_a_body, NBT, NE, bs_, max_tok, bwb, take_cap,
                          thr, MS),
        grid=(NBT,),
        in_specs=[
            pl.BlockSpec((1, bs_, H), lambda i: (i, 0, 0)),
            pl.BlockSpec((H, BRD), lambda i: (0, 0)),
            pl.BlockSpec((1, BRD), lambda i: (0, 0)),
            pl.BlockSpec((1, BRD), lambda i: (0, 0)),
            pl.BlockSpec((1, BRD), lambda i: (0, 0)),
            pl.BlockSpec((BRD, NE), lambda i: (0, 0)),
            pl.BlockSpec((1, NE), lambda i: (0, 0)),
        ],
        out_specs=[
            pl.BlockSpec((NBT, NE), lambda i: (0, 0)),
            pl.BlockSpec((1, MS), lambda i: (0, 0)),
            pl.BlockSpec((1, MS), lambda i: (0, 0)),
            pl.BlockSpec((1, MS), lambda i: (0, 0)),
        ],
        out_shape=[
            jax.ShapeDtypeStruct((NBT, NE), f32),
            jax.ShapeDtypeStruct((1, MS), jnp.int32),
            jax.ShapeDtypeStruct((1, MS), jnp.int32),
            jax.ShapeDtypeStruct((1, MS), jnp.int32),
        ],
        scratch_shapes=[pltpu.VMEM((NBT, H), f32)],
        interpret=_INTERPRET,
    )(hs3, bw1, bb1r, ln_gr, ln_br, bw2, bb2r)

    idx_flat = idx_i.reshape(MS)
    act_flat = act_i.reshape(MS)
    idxsc_flat = idxsc_i.reshape(MS)

    info = plsc.get_sparse_core_info()
    NC = info.num_cores
    mesh = plsc.VectorSubcoreMesh(core_axis_name="c", subcore_axis_name="s")
    rw_filled = pl.kernel(
        functools.partial(_sc_fill_body, NC, bs_ // 2),
        mesh=mesh,
        out_type=jax.ShapeDtypeStruct((NBT, bs_, NE), f32),
        scratch_types=[
            pltpu.VMEM((NE,), f32),
            pltpu.VMEM((bs_ // 2, NE), f32),
        ],
    )(rows)

    KT = 512
    KTI = H // KT
    x_specs = [
        pl.BlockSpec((1, bs_, KT),
                     functools.partial(lambda s, k, idx, act: (idx[s], 0, k), s))
        for s in range(MS)
    ]
    tl, aux_arr = pl.pallas_call(
        functools.partial(_stage_b_body, KTI, MS, NBT, bs_, NE, float(B * S)),
        grid_spec=pltpu.PrefetchScalarGridSpec(
            num_scalar_prefetch=2,
            grid=(KTI,),
            in_specs=x_specs + [
                pl.BlockSpec((KT, H2), lambda k, idx, act: (k, 0)),
                pl.BlockSpec((1, H2), lambda k, idx, act: (0, 0)),
                pl.BlockSpec((H2, NE), lambda k, idx, act: (0, 0)),
                pl.BlockSpec((1, NE), lambda k, idx, act: (0, 0)),
                pl.BlockSpec((NBT, NE), lambda k, idx, act: (0, 0)),
            ],
            out_specs=[
                pl.BlockSpec((MS * bs_, NE), lambda k, idx, act: (0, 0)),
                pl.BlockSpec((1, 1), lambda k, idx, act: (0, 0)),
            ],
            scratch_shapes=[pltpu.VMEM((MS * bs_, H2), f32)],
        ),
        out_shape=[
            jax.ShapeDtypeStruct((MS * bs_, NE), f32),
            jax.ShapeDtypeStruct((1, 1), f32),
        ],
        interpret=_INTERPRET,
    )(idx_flat, act_flat, *([hs3] * MS), tw1, tb1r, tw2, tb2r, rows)

    rw3 = pl.pallas_call(
        functools.partial(_scatter_body, MS, bs_, NE),
        grid_spec=pltpu.PrefetchScalarGridSpec(
            num_scalar_prefetch=2,
            grid=(MS,),
            in_specs=[
                pl.BlockSpec((NBT, NE), lambda s, isc, act: (0, 0)),
                pl.BlockSpec((bs_, NE), lambda s, isc, act: (s, 0)),
                pl.BlockSpec(memory_space=pltpu.MemorySpace.HBM),
            ],
            out_specs=pl.BlockSpec((1, bs_, NE),
                                   lambda s, isc, act: (isc[s], 0, 0)),
        ),
        out_shape=jax.ShapeDtypeStruct((NBT, bs_, NE), f32),
        input_output_aliases={4: 0},
        interpret=_INTERPRET,
    )(idxsc_flat, act_flat, rows, tl, rw_filled)

    rw = rw3.reshape(B, padded, NE)[:, :S]
    return rw, aux_arr[0, 0]

# --- scband reference (transcript-rebuilt; emitter-appended) ---
"""Pipeline reference for scband-enhanced-memory-efficient-mo-e-37864431681943 (READ-ONLY COPY).

The authoritative reference and input builder live on the scoring server;
editing this copy changes nothing except your own understanding.
"""

import jax, jax.numpy as jnp
import numpy as np

HIDDEN = 4096
NUM_EXPERTS = 16
BASE_BLOCK = 512
MAX_BLOCK = 2048
BASE_THR = 0.6
BASE_BUDGET = 0.3
BRD = max(64, HIDDEN // 8)


def _layernorm(x, g, b):
    m = jnp.mean(x, axis=-1, keepdims=True)
    v = jnp.var(x, axis=-1, keepdims=True)
    return (x - m) / jnp.sqrt(v + 1e-5) * g + b


def _gelu(x):
    return jax.nn.gelu(x, approximate=False)


def _adjust(seq_len):
    if seq_len <= 4096:
        return BASE_BLOCK, BASE_THR, BASE_BUDGET
    elif seq_len <= 16384:
        return min(1024, MAX_BLOCK), BASE_THR * 1.1, BASE_BUDGET * 0.7
    else:
        sf = min(seq_len / 16384, 4)
        return min(int(BASE_BLOCK * sf), MAX_BLOCK), BASE_THR * 1.2, BASE_BUDGET * (1.0 / sf)


def setup_inputs(seed: int = 0):
    key = jax.random.key(seed)
    ks = [jax.random.fold_in(key, i) for i in range(8)]
    B, S, H = 2, 4096, HIDDEN
    return {
        "hidden_states": jax.random.normal(ks[0], (B, S, H), dtype=jnp.float32),
        "bw1": jax.random.normal(ks[1], (H, BRD), dtype=jnp.float32) * 0.02,
        "bb1": jnp.zeros((BRD,), jnp.float32),
        "ln_g": jnp.ones((BRD,), jnp.float32),
        "ln_b": jnp.zeros((BRD,), jnp.float32),
        "bw2": jax.random.normal(ks[2], (BRD, NUM_EXPERTS), dtype=jnp.float32) * 0.02,
        "bb2": jnp.zeros((NUM_EXPERTS,), jnp.float32),
        "tw1": jax.random.normal(ks[3], (H, H // 2), dtype=jnp.float32) * 0.02,
        "tb1": jnp.zeros((H // 2,), jnp.float32),
        "tw2": jax.random.normal(ks[4], (H // 2, NUM_EXPERTS), dtype=jnp.float32) * 0.02,
        "tb2": jnp.zeros((NUM_EXPERTS,), jnp.float32),
    }


def reference(hidden_states, bw1, bb1, ln_g, ln_b, bw2, bb2, tw1, tb1, tw2, tb2):
    B, S, H = hidden_states.shape
    block_size, thr, budget = _adjust(S)
    nb = (S + block_size - 1) // block_size
    padded = nb * block_size
    hs = hidden_states
    if padded > S:
        hs = jnp.concatenate([hs, jnp.zeros((B, padded - S, H), hs.dtype)], axis=1)
    blocks = hs.reshape(B, nb, block_size, H)
    block_repr = jnp.mean(blocks, axis=2)
    h = _gelu(_layernorm(block_repr @ bw1 + bb1, ln_g, ln_b)) @ bw2 + bb2
    block_probs = jax.nn.softmax(h, axis=-1)
    p = block_probs + 1e-10
    entropy = -jnp.sum(p * jnp.log(p), axis=-1) / jnp.log(float(NUM_EXPERTS))
    mask1 = entropy > thr
    e_idx = jnp.argmax(block_probs, axis=-1)
    w_val = jnp.max(block_probs, axis=-1)
    onehot_w = jax.nn.one_hot(e_idx, NUM_EXPERTS, dtype=hidden_states.dtype) * w_val[..., None]
    base = jnp.where(mask1[..., None], jnp.zeros_like(onehot_w), onehot_w)
    total_high = jnp.sum(mask1)
    max_tok = int(S * budget)
    bwb = max(1, max_tok // block_size)
    highs = jnp.where(mask1, entropy, -jnp.inf).reshape(-1)
    sorted_desc = jnp.sort(highs)[::-1]
    thr_adj = sorted_desc[bwb - 1]
    adjust_cond = (total_high * block_size > max_tok) & (total_high > 0) & (bwb < total_high)
    mask2 = jnp.where(adjust_cond, entropy > thr_adj, mask1)
    tl = jax.nn.softmax(_gelu(blocks @ tw1 + tb1) @ tw2 + tb2, axis=-1)
    flat_m2 = mask2.reshape(B * nb)
    flat_tl = tl.reshape(B * nb, block_size, NUM_EXPERTS)
    flat_base = base.reshape(B * nb, NUM_EXPERTS)
    flat_ow = onehot_w.reshape(B * nb, NUM_EXPERTS)

    def body(tokens_routed, x):
        routed, tlk, basek, owk = x
        within = tokens_routed + block_size <= max_tok
        take = routed & within
        fallback = routed & (~within)
        out = jnp.where(take, tlk,
                        jnp.where(fallback, owk[None, :], basek[None, :]))
        tokens_routed = tokens_routed + take.astype(jnp.int32) * block_size
        return tokens_routed, out

    _, rw_blocks = jax.lax.scan(body, jnp.int32(0), (flat_m2, flat_tl, flat_base, flat_ow))
    rw = rw_blocks.reshape(B, padded, NUM_EXPERTS)[:, :S].astype(hidden_states.dtype)
    usage = jnp.mean(rw, axis=(0, 1))
    target = jnp.ones_like(usage) / NUM_EXPERTS
    aux = jnp.sum(target * jnp.log(target / (usage + 1e-10)))
    return rw, aux

if __name__ == "__main__":
    import jax
    _d = setup_inputs()
    print(jax.jit(kernel)(*tuple(_d.values())))

</pallas_src>

<mosaic_0001>
#map = affine_map<(d0, d1) -> (0, 0)>
#map1 = affine_map<(d0, d1) -> (0, 0, 0)>
module attributes {stable_mosaic.version = 14 : i64} {
  func.func @_sc_fill_body(%arg0: i32, %arg1: i32, %arg2: memref<16x16xf32, #tpu.memory_space<hbm>>, %arg3: memref<16x512x16xf32, #tpu.memory_space<hbm>>, %arg4: memref<16xf32, #tpu.memory_space<vmem>>, %arg5: memref<256x16xf32, #tpu.memory_space<vmem>>) attributes {dimension_semantics = [#tpu.dimension_semantics<core_parallel>, #tpu.dimension_semantics<subcore_parallel>], iteration_bounds = array<i64: 2, 16>, scalar_prefetch = 0 : i64, scratch_operands = 2 : i64, tpu.core_type = #tpu.core_type<sc_vector_subcore>, window_params = [{transform_indices = #map}, {transform_indices = #map1}]} {
    %mul3A = arith.constant 2 : i32
    %mul3A_0 = arith.muli %arg1, %mul3A : i32
    %add3A = arith.addi %mul3A_0, %arg0 : i32
    %jit3A = arith.constant 2 : i32
    %div3A = arith.divsi %add3A, %jit3A : i32
    %sign3A = arith.constant 0 : i32
    %sign3A_1 = arith.cmpi sgt, %add3A, %sign3A : i32
    %sign3A_2 = arith.extui %sign3A_1 : i1 to i32
    %sign3A_3 = arith.constant 0 : i32
    %sign3A_4 = arith.cmpi slt, %add3A, %sign3A_3 : i32
    %sign3A_5 = arith.extui %sign3A_4 : i1 to i32
    %sign3A_6 = arith.subi %sign3A_2, %sign3A_5 : i32
    %sign3A_7 = arith.constant 0 : i32
    %sign3A_8 = arith.cmpi sgt, %jit3A, %sign3A_7 : i32
    %sign3A_9 = arith.extui %sign3A_8 : i1 to i32
    %sign3A_10 = arith.constant 0 : i32
    %sign3A_11 = arith.cmpi slt, %jit3A, %sign3A_10 : i32
    %sign3A_12 = arith.extui %sign3A_11 : i1 to i32
    %sign3A_13 = arith.subi %sign3A_9, %sign3A_12 : i32
    %ne3A = arith.cmpi ne, %sign3A_6, %sign3A_13 : i32
    %rem3A = arith.remsi %add3A, %jit3A : i32
    %ne3A_14 = arith.constant 0 : i32
    %ne3A_15 = arith.cmpi ne, %rem3A, %ne3A_14 : i32
    %and3A = arith.andi %ne3A, %ne3A_15 : i1
    %sub3A = arith.constant 1 : i32
    %sub3A_16 = arith.subi %div3A, %sub3A : i32
    %select_n3A = arith.select %and3A, %sub3A_16, %div3A : i32
    %mul3A_17 = arith.constant 2 : i32
    %mul3A_18 = arith.muli %mul3A_17, %select_n3A : i32
    %sub3A_19 = arith.subi %add3A, %mul3A_18 : i32
    "tpu.region"() ({
      %run_scoped3A = tpu.sem_alloc : memref<!tpu.dma_semaphore, #tpu.memory_space<semaphore_mem>>
      %dma_start3A = arith.constant 0 : i32
      %dma_start3A_29 = tpu.memref_slice %arg2[%select_n3A, %dma_start3A] : memref<16x16xf32, #tpu.memory_space<hbm>> -> memref<1x16xf32, #tpu.memory_space<hbm>>
      %dma_start3A_30 = tpu.memref_squeeze %dma_start3A_29 : memref<1x16xf32, #tpu.memory_space<hbm>> -> memref<16xf32, #tpu.memory_space<hbm>>
      %dma_start3A_31 = arith.constant 0 : i32
      %dma_start3A_32 = tpu.memref_slice %arg2[%select_n3A, %dma_start3A_31] : memref<16x16xf32, #tpu.memory_space<hbm>> -> memref<1x16xf32, #tpu.memory_space<hbm>>
      %dma_start3A_33 = tpu.memref_squeeze %dma_start3A_32 : memref<1x16xf32, #tpu.memory_space<hbm>> -> memref<16xf32, #tpu.memory_space<hbm>>
      tpu.enqueue_dma source(%dma_start3A_33 : memref<16xf32, #tpu.memory_space<hbm>>) target(%arg4 : memref<16xf32, #tpu.memory_space<vmem>>) target_semaphore(%run_scoped3A : memref<!tpu.dma_semaphore, #tpu.memory_space<semaphore_mem>>)
      %dma_wait3A = arith.constant 0 : i32
      %dma_wait3A_34 = tpu.memref_slice %arg2[%select_n3A, %dma_wait3A] : memref<16x16xf32, #tpu.memory_space<hbm>> -> memref<1x16xf32, #tpu.memory_space<hbm>>
      %dma_wait3A_35 = tpu.memref_squeeze %dma_wait3A_34 : memref<1x16xf32, #tpu.memory_space<hbm>> -> memref<16xf32, #tpu.memory_space<hbm>>
      %dma_wait3A_36 = arith.constant 0 : i32
      %dma_wait3A_37 = tpu.memref_slice %arg2[%select_n3A, %dma_wait3A_36] : memref<16x16xf32, #tpu.memory_space<hbm>> -> memref<1x16xf32, #tpu.memory_space<hbm>>
      %dma_wait3A_38 = tpu.memref_squeeze %dma_wait3A_37 : memref<1x16xf32, #tpu.memory_space<hbm>> -> memref<16xf32, #tpu.memory_space<hbm>>
      tpu.wait_dma2 semaphore(%run_scoped3A : memref<!tpu.dma_semaphore, #tpu.memory_space<semaphore_mem>>) src(%dma_wait3A_38 : memref<16xf32, #tpu.memory_space<hbm>>) dst(%arg4 : memref<16xf32, #tpu.memory_space<vmem>>)
      tpu.yield
    }) : () -> ()
    %get3A = arith.constant 0 : index
    %get3A_20 = tpu.vector_load %arg4[%get3A] {strides = array<i32>} : memref<16xf32, #tpu.memory_space<vmem>>, vector<16xf32>,
    %get3A_21 = vector.shape_cast %get3A_20 : vector<16xf32> to vector<16xf32>
    %scan3A = arith.constant 0 : i32
    %scan3A_22 = arith.constant 0 : i32
    %scan3A_23 = arith.constant 256 : i32
    %scan3A_24 = arith.addi %scan3A_22, %scan3A_23 : i32
    %scan3A_25 = arith.constant 1 : i32
    scf.for %scan3A_29 = %scan3A_22 to %scan3A_24 step %scan3A_25  : i32 {
      %swap3A = arith.index_cast %scan3A_29 : i32 to index
      %swap3A_30 = arith.constant 0 : index
      %swap3A_31 = tpu.vector_load %arg5[%swap3A, %swap3A_30] {strides = array<i32>} : memref<256x16xf32, #tpu.memory_space<vmem>>, vector<1x16xf32>,
      %swap3A_32 = vector.shape_cast %swap3A_31 : vector<1x16xf32> to vector<16xf32>
      %swap3A_33 = vector.shape_cast %get3A_21 : vector<16xf32> to vector<1x16xf32>
      tpu.vector_store %arg5[%swap3A, %swap3A_30], %swap3A_33 {strides = array<i32>} : memref<256x16xf32, #tpu.memory_space<vmem>>, vector<1x16xf32>,
    }
    %scan3A_26 = arith.constant 256 : i32
    %mul3A_27 = arith.constant 256 : i32
    %mul3A_28 = arith.muli %sub3A_19, %mul3A_27 : i32
    "tpu.region"() ({
      %run_scoped3A = tpu.sem_alloc : memref<!tpu.dma_semaphore, #tpu.memory_space<semaphore_mem>>
      %dma_start3A = arith.constant 0 : i32
      %dma_start3A_29 = tpu.memref_slice %arg3[%select_n3A, %mul3A_28, %dma_start3A] : memref<16x512x16xf32, #tpu.memory_space<hbm>> -> memref<1x256x16xf32, #tpu.memory_space<hbm>>
      %dma_start3A_30 = tpu.memref_squeeze %dma_start3A_29 : memref<1x256x16xf32, #tpu.memory_space<hbm>> -> memref<256x16xf32, #tpu.memory_space<hbm>>
      %dma_start3A_31 = arith.constant 0 : i32
      %dma_start3A_32 = tpu.memref_slice %arg3[%select_n3A, %mul3A_28, %dma_start3A_31] : memref<16x512x16xf32, #tpu.memory_space<hbm>> -> memref<1x256x16xf32, #tpu.memory_space<hbm>>
      %dma_start3A_33 = tpu.memref_squeeze %dma_start3A_32 : memref<1x256x16xf32, #tpu.memory_space<hbm>> -> memref<256x16xf32, #tpu.memory_space<hbm>>
      tpu.enqueue_dma source(%arg5 : memref<256x16xf32, #tpu.memory_space<vmem>>) target(%dma_start3A_33 : memref<256x16xf32, #tpu.memory_space<hbm>>) target_semaphore(%run_scoped3A : memref<!tpu.dma_semaphore, #tpu.memory_space<semaphore_mem>>)
      %dma_wait3A = arith.constant 0 : i32
      %dma_wait3A_34 = tpu.memref_slice %arg3[%select_n3A, %mul3A_28, %dma_wait3A] : memref<16x512x16xf32, #tpu.memory_space<hbm>> -> memref<1x256x16xf32, #tpu.memory_space<hbm>>
      %dma_wait3A_35 = tpu.memref_squeeze %dma_wait3A_34 : memref<1x256x16xf32, #tpu.memory_space<hbm>> -> memref<256x16xf32, #tpu.memory_space<hbm>>
      %dma_wait3A_36 = arith.constant 0 : i32
      %dma_wait3A_37 = tpu.memref_slice %arg3[%select_n3A, %mul3A_28, %dma_wait3A_36] : memref<16x512x16xf32, #tpu.memory_space<hbm>> -> memref<1x256x16xf32, #tpu.memory_space<hbm>>
      %dma_wait3A_38 = tpu.memref_squeeze %dma_wait3A_37 : memref<1x256x16xf32, #tpu.memory_space<hbm>> -> memref<256x16xf32, #tpu.memory_space<hbm>>
      tpu.wait_dma2 semaphore(%run_scoped3A : memref<!tpu.dma_semaphore, #tpu.memory_space<semaphore_mem>>) src(%arg5 : memref<256x16xf32, #tpu.memory_space<vmem>>) dst(%dma_wait3A_38 : memref<256x16xf32, #tpu.memory_space<hbm>>)
      tpu.yield
    }) : () -> ()
    return
  }
}

module attributes {stable_mosaic.version = 14 : i64} {
  func.func @_stage_b_body(%arg0: i32, %arg1: memref<2xi32, #tpu.memory_space<smem>>, %arg2: memref<2xi32, #tpu.memory_space<smem>>, %arg3: memref<1x512x512xf32, #tpu.memory_space<vmem>>, %arg4: memref<1x512x512xf32, #tpu.memory_space<vmem>>, %arg5: memref<512x2048xf32, #tpu.memory_space<vmem>>, %arg6: memref<1x2048xf32, #tpu.memory_space<vmem>>, %arg7: memref<2048x16xf32, #tpu.memory_space<vmem>>, %arg8: memref<1x16xf32, #tpu.memory_space<vmem>>, %arg9: memref<16x16xf32, #tpu.memory_space<vmem>>, %arg10: memref<1024x16xf32, #tpu.memory_space<vmem>>, %arg11: memref<1x1xf32, #tpu.memory_space<vmem>>, %arg12: memref<1024x2048xf32, #tpu.memory_space<vmem>>) attributes {dimension_semantics = [#tpu.dimension_semantics<arbitrary>], iteration_bounds = array<i64: 8>, scalar_prefetch = 2 : i64, scratch_operands = 1 : i64, tpu.core_type = #tpu.core_type<tc>, window_params = [{transform_indices = @transform_0, window_bounds = array<i64: 1, 512, 512>}, {transform_indices = @transform_1, window_bounds = array<i64: 1, 512, 512>}, {transform_indices = @transform_2, window_bounds = array<i64: 512, 2048>}, {pipeline_mode = #tpu.pipeline_mode<synchronous>, transform_indices = @transform_3, window_bounds = array<i64: 1, 2048>}, {pipeline_mode = #tpu.pipeline_mode<synchronous>, transform_indices = @transform_4, window_bounds = array<i64: 2048, 16>}, {pipeline_mode = #tpu.pipeline_mode<synchronous>, transform_indices = @transform_5, window_bounds = array<i64: 1, 16>}, {pipeline_mode = #tpu.pipeline_mode<synchronous>, transform_indices = @transform_6, window_bounds = array<i64: 16, 16>}, {pipeline_mode = #tpu.pipeline_mode<synchronous>, transform_indices = @transform_7, window_bounds = array<i64: 1024, 16>}, {pipeline_mode = #tpu.pipeline_mode<synchronous>, transform_indices = @transform_8, window_bounds = array<i64: 1, 1>}]} {
    %eq3A = arith.constant 0 : i32
    %eq3A_0 = arith.cmpi eq, %arg0, %eq3A : i32
    %convert_element_type3A = arith.extui %eq3A_0 : i1 to i32
    %cond3A = arith.constant 0 : i32
    %cond3A_1 = arith.cmpi ne, %convert_element_type3A, %cond3A : i32
    scf.if %cond3A_1 {
      %broadcast_in_dim3A = arith.constant 0.000000e+00 : f32
      %broadcast_in_dim3A_25 = vector.broadcast %broadcast_in_dim3A : f32 to vector<1024x2048xf32>
      %swap3A_26 = arith.constant 0 : index
      %swap3A_27 = arith.constant 0 : index
      %swap3A_28 = vector.load %arg12[%swap3A_26, %swap3A_27] : memref<1024x2048xf32, #tpu.memory_space<vmem>>, vector<1024x2048xf32>
      tpu.vector_store %arg12[%swap3A_26, %swap3A_27], %broadcast_in_dim3A_25 {strides = array<i32>} : memref<1024x2048xf32, #tpu.memory_space<vmem>>, vector<1024x2048xf32>,
    } else {
    }
    %get3A = arith.constant 0 : index
    %get3A_2 = arith.constant 0 : index
    %get3A_3 = arith.constant 0 : index
    %get3A_4 = vector.load %arg3[%get3A, %get3A_2, %get3A_3] : memref<1x512x512xf32, #tpu.memory_space<vmem>>, vector<1x512x512xf32>
    %get3A_5 = vector.shape_cast %get3A_4 : vector<1x512x512xf32> to vector<512x512xf32>
    %get3A_6 = arith.constant 0 : index
    %get3A_7 = arith.constant 0 : index
    %get3A_8 = arith.constant 0 : index
    %get3A_9 = vector.load %arg4[%get3A_6, %get3A_7, %get3A_8] : memref<1x512x512xf32, #tpu.memory_space<vmem>>, vector<1x512x512xf32>
    %get3A_10 = vector.shape_cast %get3A_9 : vector<1x512x512xf32> to vector<512x512xf32>
    %concatenate3A = tpu.concatenate %get3A_5, %get3A_10 in 0 : vector<512x512xf32>, vector<512x512xf32> -> vector<1024x512xf32>
    %get3A_11 = arith.constant 0 : index
    %get3A_12 = arith.constant 0 : index
    %get3A_13 = vector.load %arg12[%get3A_11, %get3A_12] : memref<1024x2048xf32, #tpu.memory_space<vmem>>, vector<1024x2048xf32>
    %get3A_14 = arith.constant 0 : index
    %get3A_15 = arith.constant 0 : index
    %get3A_16 = vector.load %arg5[%get3A_14, %get3A_15] : memref<512x2048xf32, #tpu.memory_space<vmem>>, vector<512x2048xf32>
    %dot_general3A = arith.constant dense<0.000000e+00> : vector<1024x2048xf32>
    %dot_general3A_17 = tpu.matmul %concatenate3A, %get3A_16, %dot_general3A {dimension_numbers = #tpu.dot_dimension_numbers<[1], [0], [0], [1], [0, 0, 1, 1], [], []>, transpose_lhs_hint = false} : vector<1024x512xf32>, vector<512x2048xf32>, vector<1024x2048xf32> -> vector<1024x2048xf32>
    %add3A = arith.addf %get3A_13, %dot_general3A_17 : vector<1024x2048xf32>
    %swap3A = arith.constant 0 : index
    %swap3A_18 = arith.constant 0 : index
    %swap3A_19 = vector.load %arg12[%swap3A, %swap3A_18] : memref<1024x2048xf32, #tpu.memory_space<vmem>>, vector<1024x2048xf32>
    tpu.vector_store %arg12[%swap3A, %swap3A_18], %add3A {strides = array<i32>} : memref<1024x2048xf32, #tpu.memory_space<vmem>>, vector<1024x2048xf32>,
    %eq3A_20 = arith.constant 7 : i32
    %eq3A_21 = arith.cmpi eq, %arg0, %eq3A_20 : i32
    %convert_element_type3A_22 = arith.extui %eq3A_21 : i1 to i32
    %cond3A_23 = arith.constant 0 : i32
    %cond3A_24 = arith.cmpi ne, %convert_element_type3A_22, %cond3A_23 : i32
    scf.if %cond3A_24 {
      %get3A_25 = arith.constant 0 : index
      %get3A_26 = arith.constant 0 : index
      %get3A_27 = vector.load %arg12[%get3A_25, %get3A_26] : memref<1024x2048xf32, #tpu.memory_space<vmem>>, vector<1024x2048xf32>
      %get3A_28 = arith.constant 0 : index
      %get3A_29 = arith.constant 0 : index
      %get3A_30 = vector.load %arg6[%get3A_28, %get3A_29] : memref<1x2048xf32, #tpu.memory_space<vmem>>, vector<1x2048xf32>
      %add3A_31 = vector.broadcast %get3A_30 : vector<1x2048xf32> to vector<1024x2048xf32>
      %add3A_32 = arith.addf %get3A_27, %add3A_31 : vector<1024x2048xf32>
      %mul3A = arith.constant 5.000000e-01 : f32
      %mul3A_33 = vector.broadcast %mul3A : f32 to vector<1024x2048xf32>
      %mul3A_34 = arith.mulf %mul3A_33, %add3A_32 : vector<1024x2048xf32>
      %div3A = arith.constant 1.41421354 : f32
      %div3A_35 = vector.broadcast %div3A : f32 to vector<1024x2048xf32>
      %div3A_36 = arith.divf %add3A_32, %div3A_35 : vector<1024x2048xf32>
      %erf3A = math.erf %div3A_36 : vector<1024x2048xf32>
      %add3A_37 = arith.constant 1.000000e+00 : f32
      %add3A_38 = vector.broadcast %add3A_37 : f32 to vector<1024x2048xf32>
      %add3A_39 = arith.addf %add3A_38, %erf3A : vector<1024x2048xf32>
      %mul3A_40 = arith.mulf %mul3A_34, %add3A_39 : vector<1024x2048xf32>
      %get3A_41 = arith.constant 0 : index
      %get3A_42 = arith.constant 0 : index
      %get3A_43 = vector.load %arg7[%get3A_41, %get3A_42] : memref<2048x16xf32, #tpu.memory_space<vmem>>, vector<2048x16xf32>
      %dot_general3A_44 = arith.constant dense<0.000000e+00> : vector<1024x16xf32>
      %dot_general3A_45 = tpu.matmul %mul3A_40, %get3A_43, %dot_general3A_44 {dimension_numbers = #tpu.dot_dimension_numbers<[1], [0], [0], [1], [0, 0, 1, 1], [], []>, transpose_lhs_hint = false} : vector<1024x2048xf32>, vector<2048x16xf32>, vector<1024x16xf32> -> vector<1024x16xf32>
      %get3A_46 = arith.constant 0 : index
      %get3A_47 = arith.constant 0 : index
      %get3A_48 = vector.load %arg8[%get3A_46, %get3A_47] : memref<1x16xf32, #tpu.memory_space<vmem>>, vector<1x16xf32>
      %add3A_49 = vector.broadcast %get3A_48 : vector<1x16xf32> to vector<1024x16xf32>
      %add3A_50 = arith.addf %dot_general3A_45, %add3A_49 : vector<1024x16xf32>
      %reduce_max3A = arith.constant dense<0xFF800000> : vector<1024xf32>
      %reduce_max3A_51 = vector.multi_reduction <maximumf>, %add3A_50, %reduce_max3A [1] : vector<1024x16xf32> to vector<1024xf32>
      %broadcast_in_dim3A = vector.shape_cast %reduce_max3A_51 : vector<1024xf32> to vector<1024x1xf32>
      %sub3A = vector.broadcast %broadcast_in_dim3A : vector<1024x1xf32> to vector<1024x16xf32>
      %sub3A_52 = arith.subf %add3A_50, %sub3A : vector<1024x16xf32>
      %exp3A = math.exp %sub3A_52 : vector<1024x16xf32>
      %reduce_sum3A = arith.constant dense<0.000000e+00> : vector<1024xf32>
      %reduce_sum3A_53 = vector.multi_reduction <add>, %exp3A, %reduce_sum3A [1] : vector<1024x16xf32> to vector<1024xf32>
      %broadcast_in_dim3A_54 = vector.shape_cast %reduce_sum3A_53 : vector<1024xf32> to vector<1024x1xf32>
      %div3A_55 = vector.broadcast %broadcast_in_dim3A_54 : vector<1024x1xf32> to vector<1024x16xf32>
      %div3A_56 = arith.divf %exp3A, %div3A_55 : vector<1024x16xf32>
      %swap3A_57 = arith.constant 0 : index
      %swap3A_58 = arith.constant 0 : index
      %swap3A_59 = vector.load %arg10[%swap3A_57, %swap3A_58] : memref<1024x16xf32, #tpu.memory_space<vmem>>, vector<1024x16xf32>
      tpu.vector_store %arg10[%swap3A_57, %swap3A_58], %div3A_56 {strides = array<i32>} : memref<1024x16xf32, #tpu.memory_space<vmem>>, vector<1024x16xf32>,
      %get3A_60 = arith.constant 0 : index
      %get3A_61 = arith.constant 0 : index
      %get3A_62 = vector.load %arg9[%get3A_60, %get3A_61] : memref<16x16xf32, #tpu.memory_space<vmem>>, vector<16x16xf32>
      %reduce_sum3A_63 = arith.constant dense<0.000000e+00> : vector<16xf32>
      %reduce_sum3A_64 = vector.multi_reduction <add>, %get3A_62, %reduce_sum3A_63 [0] : vector<16x16xf32> to vector<16xf32>
      %broadcast_in_dim3A_65 = vector.shape_cast %reduce_sum3A_64 : vector<16xf32> to vector<1x16xf32>
      %mul3A_66 = arith.constant 5.120000e+02 : f32
      %mul3A_67 = vector.broadcast %mul3A_66 : f32 to vector<1x16xf32>
      %mul3A_68 = arith.mulf %broadcast_in_dim3A_65, %mul3A_67 : vector<1x16xf32>
      %slice3A = vector.extract_strided_slice %div3A_56 {offsets = [0, 0], sizes = [512, 16], strides = [1, 1]} : vector<1024x16xf32> to vector<512x16xf32>
      %get3A_69 = arith.constant 0 : index
      %get3A_70 = memref.load %arg2[%get3A_69] : memref<2xi32, #tpu.memory_space<smem>>
      %gt3A = arith.constant 0 : i32
      %gt3A_71 = arith.cmpi sgt, %get3A_70, %gt3A : i32
      %reduce_sum3A_72 = arith.constant dense<0.000000e+00> : vector<16xf32>
      %reduce_sum3A_73 = vector.multi_reduction <add>, %slice3A, %reduce_sum3A_72 [0] : vector<512x16xf32> to vector<16xf32>
      %broadcast_in_dim3A_74 = vector.shape_cast %reduce_sum3A_73 : vector<16xf32> to vector<1x16xf32>
      %broadcast_in_dim3A_75 = arith.constant 0.000000e+00 : f32
      %broadcast_in_dim3A_76 = vector.broadcast %broadcast_in_dim3A_75 : f32 to vector<1x16xf32>
      %select_n3A = arith.select %gt3A_71, %broadcast_in_dim3A_74, %broadcast_in_dim3A_76 : vector<1x16xf32>
      %add3A_77 = arith.addf %mul3A_68, %select_n3A : vector<1x16xf32>
      %slice3A_78 = vector.extract_strided_slice %div3A_56 {offsets = [512, 0], sizes = [512, 16], strides = [1, 1]} : vector<1024x16xf32> to vector<512x16xf32>
      %get3A_79 = arith.constant 1 : index
      %get3A_80 = memref.load %arg2[%get3A_79] : memref<2xi32, #tpu.memory_space<smem>>
      %gt3A_81 = arith.constant 0 : i32
      %gt3A_82 = arith.cmpi sgt, %get3A_80, %gt3A_81 : i32
      %reduce_sum3A_83 = arith.constant dense<0.000000e+00> : vector<16xf32>
      %reduce_sum3A_84 = vector.multi_reduction <add>, %slice3A_78, %reduce_sum3A_83 [0] : vector<512x16xf32> to vector<16xf32>
      %broadcast_in_dim3A_85 = vector.shape_cast %reduce_sum3A_84 : vector<16xf32> to vector<1x16xf32>
      %broadcast_in_dim3A_86 = arith.constant 0.000000e+00 : f32
      %broadcast_in_dim3A_87 = vector.broadcast %broadcast_in_dim3A_86 : f32 to vector<1x16xf32>
      %select_n3A_88 = arith.select %gt3A_82, %broadcast_in_dim3A_85, %broadcast_in_dim3A_87 : vector<1x16xf32>
      %add3A_89 = arith.addf %add3A_77, %select_n3A_88 : vector<1x16xf32>
      %div3A_90 = arith.constant 8.192000e+03 : f32
      %div3A_91 = vector.broadcast %div3A_90 : f32 to vector<1x16xf32>
      %div3A_92 = arith.divf %add3A_89, %div3A_91 : vector<1x16xf32>
      %add3A_93 = arith.constant 1.000000e-10 : f32
      %add3A_94 = vector.broadcast %add3A_93 : f32 to vector<1x16xf32>
      %add3A_95 = arith.addf %div3A_92, %add3A_94 : vector<1x16xf32>
      %div3A_96 = arith.constant 6.250000e-02 : f32
      %div3A_97 = vector.broadcast %div3A_96 : f32 to vector<1x16xf32>
      %div3A_98 = arith.divf %div3A_97, %add3A_95 : vector<1x16xf32>
      %log3A = math.log %div3A_98 : vector<1x16xf32>
      %mul3A_99 = arith.constant 6.250000e-02 : f32
      %mul3A_100 = vector.broadcast %mul3A_99 : f32 to vector<1x16xf32>
      %mul3A_101 = arith.mulf %mul3A_100, %log3A : vector<1x16xf32>
      %reduce_sum3A_102 = vector.shape_cast %mul3A_101 : vector<1x16xf32> to vector<1x1x16xf32>
      %reduce_sum3A_103 = arith.constant dense<0.000000e+00> : vector<1xf32>
      %reduce_sum3A_104 = vector.multi_reduction <add>, %reduce_sum3A_102, %reduce_sum3A_103 [1, 2] : vector<1x1x16xf32> to vector<1xf32>
      %reduce_sum3A_105 = vector.shape_cast %reduce_sum3A_104 : vector<1xf32> to vector<1x1x1xf32>
      %reduce_sum3A_106 = vector.extract %reduce_sum3A_105[0, 0, 0] : f32 from vector<1x1x1xf32>
      %broadcast_in_dim3A_107 = vector.broadcast %reduce_sum3A_106 : f32 to vector<1x1xf32>
      %swap3A_108 = arith.constant 0 : index
      %swap3A_109 = arith.constant 0 : index
      %swap3A_110 = vector.load %arg11[%swap3A_108, %swap3A_109] : memref<1x1xf32, #tpu.memory_space<vmem>>, vector<1x1xf32>
      tpu.vector_store %arg11[%swap3A_108, %swap3A_109], %broadcast_in_dim3A_107 {strides = array<i32>} : memref<1x1xf32, #tpu.memory_space<vmem>>, vector<1x1xf32>,
    } else {
    }
    return
  }
  func.func @transform_0(%arg0: i32, %arg1: memref<2xi32, #tpu.memory_space<smem>>, %arg2: memref<2xi32, #tpu.memory_space<smem>>) -> (i32, i32, i32) {
    %get3A = arith.constant 0 : index
    %get3A_0 = memref.load %arg1[%get3A] : memref<2xi32, #tpu.memory_space<smem>>
    %c0_i32 = arith.constant 0 : i32
    %c0_i32_1 = arith.constant 0 : i32
    return %get3A_0, %c0_i32, %arg0 : i32, i32, i32
  }
  func.func @transform_1(%arg0: i32, %arg1: memref<2xi32, #tpu.memory_space<smem>>, %arg2: memref<2xi32, #tpu.memory_space<smem>>) -> (i32, i32, i32) {
    %get3A = arith.constant 1 : index
    %get3A_0 = memref.load %arg1[%get3A] : memref<2xi32, #tpu.memory_space<smem>>
    %c0_i32 = arith.constant 0 : i32
    %c0_i32_1 = arith.constant 0 : i32
    return %get3A_0, %c0_i32, %arg0 : i32, i32, i32
  }
  func.func @transform_2(%arg0: i32, %arg1: memref<2xi32, #tpu.memory_space<smem>>, %arg2: memref<2xi32, #tpu.memory_space<smem>>) -> (i32, i32) {
    %c0_i32 = arith.constant 0 : i32
    %c0_i32_0 = arith.constant 0 : i32
    return %arg0, %c0_i32 : i32, i32
  }
  func.func @transform_3(%arg0: i32, %arg1: memref<2xi32, #tpu.memory_space<smem>>, %arg2: memref<2xi32, #tpu.memory_space<smem>>) -> (i32, i32) {
    %c0_i32 = arith.constant 0 : i32
    %c0_i32_0 = arith.constant 0 : i32
    %c0_i32_1 = arith.constant 0 : i32
    return %c0_i32, %c0_i32_0 : i32, i32
  }
  func.func @transform_4(%arg0: i32, %arg1: memref<2xi32, #tpu.memory_space<smem>>, %arg2: memref<2xi32, #tpu.memory_space<smem>>) -> (i32, i32) {
    %c0_i32 = arith.constant 0 : i32
    %c0_i32_0 = arith.constant 0 : i32
    %c0_i32_1 = arith.constant 0 : i32
    return %c0_i32, %c0_i32_0 : i32, i32
  }
  func.func @transform_5(%arg0: i32, %arg1: memref<2xi32, #tpu.memory_space<smem>>, %arg2: memref<2xi32, #tpu.memory_space<smem>>) -> (i32, i32) {
    %c0_i32 = arith.constant 0 : i32
    %c0_i32_0 = arith.constant 0 : i32
    %c0_i32_1 = arith.constant 0 : i32
    return %c0_i32, %c0_i32_0 : i32, i32
  }
  func.func @transform_6(%arg0: i32, %arg1: memref<2xi32, #tpu.memory_space<smem>>, %arg2: memref<2xi32, #tpu.memory_space<smem>>) -> (i32, i32) {
    %c0_i32 = arith.constant 0 : i32
    %c0_i32_0 = arith.constant 0 : i32
    %c0_i32_1 = arith.constant 0 : i32
    return %c0_i32, %c0_i32_0 : i32, i32
  }
  func.func @transform_7(%arg0: i32, %arg1: memref<2xi32, #tpu.memory_space<smem>>, %arg2: memref<2xi32, #tpu.memory_space<smem>>) -> (i32, i32) {
    %c0_i32 = arith.constant 0 : i32
    %c0_i32_0 = arith.constant 0 : i32
    %c0_i32_1 = arith.constant 0 : i32
    return %c0_i32, %c0_i32_0 : i32, i32
  }
  func.func @transform_8(%arg0: i32, %arg1: memref<2xi32, #tpu.memory_space<smem>>, %arg2: memref<2xi32, #tpu.memory_space<smem>>) -> (i32, i32) {
    %c0_i32 = arith.constant 0 : i32
    %c0_i32_0 = arith.constant 0 : i32
    %c0_i32_1 = arith.constant 0 : i32
    return %c0_i32, %c0_i32_0 : i32, i32
  }
}

module attributes {stable_mosaic.version = 14 : i64} {
  func.func @_stage_a_body(%arg0: i32, %arg1: memref<1x512x4096xf32, #tpu.memory_space<vmem>>, %arg2: memref<4096x512xf32, #tpu.memory_space<vmem>>, %arg3: memref<1x512xf32, #tpu.memory_space<vmem>>, %arg4: memref<1x512xf32, #tpu.memory_space<vmem>>, %arg5: memref<1x512xf32, #tpu.memory_space<vmem>>, %arg6: memref<512x16xf32, #tpu.memory_space<vmem>>, %arg7: memref<1x16xf32, #tpu.memory_space<vmem>>, %arg8: memref<16x16xf32, #tpu.memory_space<vmem>>, %arg9: memref<1x2xi32, #tpu.memory_space<vmem>>, %arg10: memref<1x2xi32, #tpu.memory_space<vmem>>, %arg11: memref<1x2xi32, #tpu.memory_space<vmem>>, %arg12: memref<16x4096xf32, #tpu.memory_space<vmem>>) attributes {dimension_semantics = [#tpu.dimension_semantics<arbitrary>], iteration_bounds = array<i64: 16>, scalar_prefetch = 0 : i64, scratch_operands = 1 : i64, tpu.core_type = #tpu.core_type<tc>, window_params = [{transform_indices = @transform_0, window_bounds = array<i64: 1, 512, 4096>}, {pipeline_mode = #tpu.pipeline_mode<synchronous>, transform_indices = @transform_1, window_bounds = array<i64: 4096, 512>}, {pipeline_mode = #tpu.pipeline_mode<synchronous>, transform_indices = @transform_2, window_bounds = array<i64: 1, 512>}, {pipeline_mode = #tpu.pipeline_mode<synchronous>, transform_indices = @transform_3, window_bounds = array<i64: 1, 512>}, {pipeline_mode = #tpu.pipeline_mode<synchronous>, transform_indices = @transform_4, window_bounds = array<i64: 1, 512>}, {pipeline_mode = #tpu.pipeline_mode<synchronous>, transform_indices = @transform_5, window_bounds = array<i64: 512, 16>}, {pipeline_mode = #tpu.pipeline_mode<synchronous>, transform_indices = @transform_6, window_bounds = array<i64: 1, 16>}, {pipeline_mode = #tpu.pipeline_mode<synchronous>, transform_indices = @transform_7, window_bounds = array<i64: 16, 16>}, {pipeline_mode = #tpu.pipeline_mode<synchronous>, transform_indices = @transform_8, window_bounds = array<i64: 1, 2>}, {pipeline_mode = #tpu.pipeline_mode<synchronous>, transform_indices = @transform_9, window_bounds = array<i64: 1, 2>}, {pipeline_mode = #tpu.pipeline_mode<synchronous>, transform_indices = @transform_10, window_bounds = array<i64: 1, 2>}]} {
    %get3A = arith.constant 0 : index
    %get3A_0 = arith.constant 0 : index
    %get3A_1 = arith.constant 0 : index
    %get3A_2 = vector.load %arg1[%get3A, %get3A_0, %get3A_1] : memref<1x512x4096xf32, #tpu.memory_space<vmem>>, vector<1x512x4096xf32>
    %get3A_3 = vector.shape_cast %get3A_2 : vector<1x512x4096xf32> to vector<512x4096xf32>
    %reduce_sum3A = arith.constant dense<0.000000e+00> : vector<4096xf32>
    %reduce_sum3A_4 = vector.multi_reduction <add>, %get3A_3, %reduce_sum3A [0] : vector<512x4096xf32> to vector<4096xf32>
    %broadcast_in_dim3A = vector.shape_cast %reduce_sum3A_4 : vector<4096xf32> to vector<1x4096xf32>
    %div3A = arith.constant 5.120000e+02 : f32
    %div3A_5 = vector.broadcast %div3A : f32 to vector<1x4096xf32>
    %div3A_6 = arith.divf %broadcast_in_dim3A, %div3A_5 : vector<1x4096xf32>
    %swap3A = arith.index_cast %arg0 : i32 to index
    %swap3A_7 = arith.constant 0 : index
    %swap3A_8 = vector.load %arg12[%swap3A, %swap3A_7] : memref<16x4096xf32, #tpu.memory_space<vmem>>, vector<1x4096xf32>
    tpu.vector_store %arg12[%swap3A, %swap3A_7], %div3A_6 {strides = array<i32>} : memref<16x4096xf32, #tpu.memory_space<vmem>>, vector<1x4096xf32>,
    %eq3A = arith.constant 15 : i32
    %eq3A_9 = arith.cmpi eq, %arg0, %eq3A : i32
    %convert_element_type3A = arith.extui %eq3A_9 : i1 to i32
    %cond3A = arith.constant 0 : i32
    %cond3A_10 = arith.cmpi ne, %convert_element_type3A, %cond3A : i32
    scf.if %cond3A_10 {
      %get3A_11 = arith.constant 0 : index
      %get3A_12 = arith.constant 0 : index
      %get3A_13 = vector.load %arg12[%get3A_11, %get3A_12] : memref<16x4096xf32, #tpu.memory_space<vmem>>, vector<16x4096xf32>
      %get3A_14 = arith.constant 0 : index
      %get3A_15 = arith.constant 0 : index
      %get3A_16 = vector.load %arg2[%get3A_14, %get3A_15] : memref<4096x512xf32, #tpu.memory_space<vmem>>, vector<4096x512xf32>
      %dot_general3A = arith.constant dense<0.000000e+00> : vector<16x512xf32>
      %dot_general3A_17 = tpu.matmul %get3A_13, %get3A_16, %dot_general3A {dimension_numbers = #tpu.dot_dimension_numbers<[1], [0], [0], [1], [0, 0, 1, 1], [], []>, transpose_lhs_hint = false} : vector<16x4096xf32>, vector<4096x512xf32>, vector<16x512xf32> -> vector<16x512xf32>
      %get3A_18 = arith.constant 0 : index
      %get3A_19 = arith.constant 0 : index
      %get3A_20 = vector.load %arg3[%get3A_18, %get3A_19] : memref<1x512xf32, #tpu.memory_space<vmem>>, vector<1x512xf32>
      %add3A = vector.broadcast %get3A_20 : vector<1x512xf32> to vector<16x512xf32>
      %add3A_21 = arith.addf %dot_general3A_17, %add3A : vector<16x512xf32>
      %reduce_sum3A_22 = arith.constant dense<0.000000e+00> : vector<16xf32>
      %reduce_sum3A_23 = vector.multi_reduction <add>, %add3A_21, %reduce_sum3A_22 [1] : vector<16x512xf32> to vector<16xf32>
      %broadcast_in_dim3A_24 = vector.shape_cast %reduce_sum3A_23 : vector<16xf32> to vector<16x1xf32>
      %div3A_25 = arith.constant 5.120000e+02 : f32
      %div3A_26 = vector.broadcast %div3A_25 : f32 to vector<16x1xf32>
      %div3A_27 = arith.divf %broadcast_in_dim3A_24, %div3A_26 : vector<16x1xf32>
      %sub3A = vector.broadcast %div3A_27 : vector<16x1xf32> to vector<16x512xf32>
      %sub3A_28 = arith.subf %add3A_21, %sub3A : vector<16x512xf32>
      %integer_pow3A = arith.mulf %sub3A_28, %sub3A_28 : vector<16x512xf32>
      %reduce_sum3A_29 = arith.constant dense<0.000000e+00> : vector<16xf32>
      %reduce_sum3A_30 = vector.multi_reduction <add>, %integer_pow3A, %reduce_sum3A_29 [1] : vector<16x512xf32> to vector<16xf32>
      %broadcast_in_dim3A_31 = vector.shape_cast %reduce_sum3A_30 : vector<16xf32> to vector<16x1xf32>
      %div3A_32 = arith.constant 5.120000e+02 : f32
      %div3A_33 = vector.broadcast %div3A_32 : f32 to vector<16x1xf32>
      %div3A_34 = arith.divf %broadcast_in_dim3A_31, %div3A_33 : vector<16x1xf32>
      %sub3A_35 = vector.broadcast %div3A_27 : vector<16x1xf32> to vector<16x512xf32>
      %sub3A_36 = arith.subf %add3A_21, %sub3A_35 : vector<16x512xf32>
      %add3A_37 = arith.constant 9.99999974E-6 : f32
      %add3A_38 = vector.broadcast %add3A_37 : f32 to vector<16x1xf32>
      %add3A_39 = arith.addf %div3A_34, %add3A_38 : vector<16x1xf32>
      %sqrt3A = math.sqrt %add3A_39 : vector<16x1xf32>
      %div3A_40 = vector.broadcast %sqrt3A : vector<16x1xf32> to vector<16x512xf32>
      %div3A_41 = arith.divf %sub3A_36, %div3A_40 : vector<16x512xf32>
      %get3A_42 = arith.constant 0 : index
      %get3A_43 = arith.constant 0 : index
      %get3A_44 = vector.load %arg4[%get3A_42, %get3A_43] : memref<1x512xf32, #tpu.memory_space<vmem>>, vector<1x512xf32>
      %mul3A = vector.broadcast %get3A_44 : vector<1x512xf32> to vector<16x512xf32>
      %mul3A_45 = arith.mulf %div3A_41, %mul3A : vector<16x512xf32>
      %get3A_46 = arith.constant 0 : index
      %get3A_47 = arith.constant 0 : index
      %get3A_48 = vector.load %arg5[%get3A_46, %get3A_47] : memref<1x512xf32, #tpu.memory_space<vmem>>, vector<1x512xf32>
      %add3A_49 = vector.broadcast %get3A_48 : vector<1x512xf32> to vector<16x512xf32>
      %add3A_50 = arith.addf %mul3A_45, %add3A_49 : vector<16x512xf32>
      %mul3A_51 = arith.constant 5.000000e-01 : f32
      %mul3A_52 = vector.broadcast %mul3A_51 : f32 to vector<16x512xf32>
      %mul3A_53 = arith.mulf %mul3A_52, %add3A_50 : vector<16x512xf32>
      %div3A_54 = arith.constant 1.41421354 : f32
      %div3A_55 = vector.broadcast %div3A_54 : f32 to vector<16x512xf32>
      %div3A_56 = arith.divf %add3A_50, %div3A_55 : vector<16x512xf32>
      %erf3A = math.erf %div3A_56 : vector<16x512xf32>
      %add3A_57 = arith.constant 1.000000e+00 : f32
      %add3A_58 = vector.broadcast %add3A_57 : f32 to vector<16x512xf32>
      %add3A_59 = arith.addf %add3A_58, %erf3A : vector<16x512xf32>
      %mul3A_60 = arith.mulf %mul3A_53, %add3A_59 : vector<16x512xf32>
      %get3A_61 = arith.constant 0 : index
      %get3A_62 = arith.constant 0 : index
      %get3A_63 = vector.load %arg6[%get3A_61, %get3A_62] : memref<512x16xf32, #tpu.memory_space<vmem>>, vector<512x16xf32>
      %dot_general3A_64 = arith.constant dense<0.000000e+00> : vector<16x16xf32>
      %dot_general3A_65 = tpu.matmul %mul3A_60, %get3A_63, %dot_general3A_64 {dimension_numbers = #tpu.dot_dimension_numbers<[1], [0], [0], [1], [0, 0, 1, 1], [], []>, transpose_lhs_hint = false} : vector<16x512xf32>, vector<512x16xf32>, vector<16x16xf32> -> vector<16x16xf32>
      %get3A_66 = arith.constant 0 : index
      %get3A_67 = arith.constant 0 : index
      %get3A_68 = vector.load %arg7[%get3A_66, %get3A_67] : memref<1x16xf32, #tpu.memory_space<vmem>>, vector<1x16xf32>
      %add3A_69 = vector.broadcast %get3A_68 : vector<1x16xf32> to vector<16x16xf32>
      %add3A_70 = arith.addf %dot_general3A_65, %add3A_69 : vector<16x16xf32>
      %reduce_max3A = arith.constant dense<0xFF800000> : vector<16xf32>
      %reduce_max3A_71 = vector.multi_reduction <maximumf>, %add3A_70, %reduce_max3A [1] : vector<16x16xf32> to vector<16xf32>
      %broadcast_in_dim3A_72 = vector.shape_cast %reduce_max3A_71 : vector<16xf32> to vector<16x1xf32>
      %sub3A_73 = vector.broadcast %broadcast_in_dim3A_72 : vector<16x1xf32> to vector<16x16xf32>
      %sub3A_74 = arith.subf %add3A_70, %sub3A_73 : vector<16x16xf32>
      %exp3A = math.exp %sub3A_74 : vector<16x16xf32>
      %reduce_sum3A_75 = arith.constant dense<0.000000e+00> : vector<16xf32>
      %reduce_sum3A_76 = vector.multi_reduction <add>, %exp3A, %reduce_sum3A_75 [1] : vector<16x16xf32> to vector<16xf32>
      %broadcast_in_dim3A_77 = vector.shape_cast %reduce_sum3A_76 : vector<16xf32> to vector<16x1xf32>
      %div3A_78 = vector.broadcast %broadcast_in_dim3A_77 : vector<16x1xf32> to vector<16x16xf32>
      %div3A_79 = arith.divf %exp3A, %div3A_78 : vector<16x16xf32>
      %add3A_80 = arith.constant 1.000000e-10 : f32
      %add3A_81 = vector.broadcast %add3A_80 : f32 to vector<16x16xf32>
      %add3A_82 = arith.addf %div3A_79, %add3A_81 : vector<16x16xf32>
      %log3A = math.log %add3A_82 : vector<16x16xf32>
      %mul3A_83 = arith.mulf %add3A_82, %log3A : vector<16x16xf32>
      %reduce_sum3A_84 = arith.constant dense<0.000000e+00> : vector<16xf32>
      %reduce_sum3A_85 = vector.multi_reduction <add>, %mul3A_83, %reduce_sum3A_84 [1] : vector<16x16xf32> to vector<16xf32>
      %broadcast_in_dim3A_86 = vector.shape_cast %reduce_sum3A_85 : vector<16xf32> to vector<16x1xf32>
      %neg3A = arith.constant 0.000000e+00 : f32
      %neg3A_87 = vector.broadcast %neg3A : f32 to vector<16x1xf32>
      %neg3A_88 = arith.subf %neg3A_87, %broadcast_in_dim3A_86 : vector<16x1xf32>
      %div3A_89 = arith.constant 2.77258873 : f32
      %div3A_90 = vector.broadcast %div3A_89 : f32 to vector<16x1xf32>
      %div3A_91 = arith.divf %neg3A_88, %div3A_90 : vector<16x1xf32>
      %gt3A = arith.constant 6.000000e-01 : f32
      %gt3A_92 = vector.broadcast %gt3A : f32 to vector<16x1xf32>
      %gt3A_93 = arith.cmpf ogt, %div3A_91, %gt3A_92 : vector<16x1xf32>
      %reduce_max3A_94 = arith.constant dense<0xFF800000> : vector<16xf32>
      %reduce_max3A_95 = vector.multi_reduction <maximumf>, %div3A_79, %reduce_max3A_94 [1] : vector<16x16xf32> to vector<16xf32>
      %broadcast_in_dim3A_96 = vector.shape_cast %reduce_max3A_95 : vector<16xf32> to vector<16x1xf32>
      %iota3A = tpu.iota {dimensions = array<i32: 1>} : vector<16x16xi32>
      %ge3A = vector.broadcast %broadcast_in_dim3A_96 : vector<16x1xf32> to vector<16x16xf32>
      %ge3A_97 = arith.cmpf oge, %div3A_79, %ge3A : vector<16x16xf32>
      %jit3A = arith.constant 16 : i32
      %broadcast_in_dim3A_98 = vector.broadcast %jit3A : i32 to vector<16x16xi32>
      %select_n3A = arith.select %ge3A_97, %iota3A, %broadcast_in_dim3A_98 : vector<16x16xi1>, vector<16x16xi32>
      %reduce_min3A = arith.constant dense<2147483647> : vector<16xi32>
      %reduce_min3A_99 = vector.multi_reduction <minsi>, %select_n3A, %reduce_min3A [1] : vector<16x16xi32> to vector<16xi32>
      %broadcast_in_dim3A_100 = vector.shape_cast %reduce_min3A_99 : vector<16xi32> to vector<16x1xi32>
      %eq3A_101 = vector.broadcast %broadcast_in_dim3A_100 : vector<16x1xi32> to vector<16x16xi32>
      %eq3A_102 = arith.cmpi eq, %iota3A, %eq3A_101 : vector<16x16xi32>
      %jit3A_103 = arith.constant 0.000000e+00 : f32
      %broadcast_in_dim3A_104 = vector.shape_cast %broadcast_in_dim3A_96 : vector<16x1xf32> to vector<16x1xf32>
      %broadcast_in_dim3A_105 = vector.broadcast %broadcast_in_dim3A_104 : vector<16x1xf32> to vector<16x16xf32>
      %broadcast_in_dim3A_106 = vector.broadcast %jit3A_103 : f32 to vector<16x16xf32>
      %select_n3A_107 = arith.select %eq3A_102, %broadcast_in_dim3A_105, %broadcast_in_dim3A_106 : vector<16x16xi1>, vector<16x16xf32>
      %convert_element_type3A_108 = arith.extui %gt3A_93 : vector<16x1xi1> to vector<16x1xi32>
      %convert_element_type3A_109 = arith.sitofp %convert_element_type3A_108 : vector<16x1xi32> to vector<16x1xf32>
      %reduce_sum3A_110 = vector.shape_cast %convert_element_type3A_109 : vector<16x1xf32> to vector<1x16x1xf32>
      %reduce_sum3A_111 = arith.constant dense<0.000000e+00> : vector<1xf32>
      %reduce_sum3A_112 = vector.multi_reduction <add>, %reduce_sum3A_110, %reduce_sum3A_111 [1, 2] : vector<1x16x1xf32> to vector<1xf32>
      %reduce_sum3A_113 = vector.shape_cast %reduce_sum3A_112 : vector<1xf32> to vector<1x1x1xf32>
      %reduce_sum3A_114 = vector.extract %reduce_sum3A_113[0, 0, 0] : f32 from vector<1x1x1xf32>
      %iota3A_115 = tpu.iota {dimensions = array<i32: 0>} : vector<16x1xi32>
      %jit3A_116 = arith.constant -1.000000e+30 : f32
      %broadcast_in_dim3A_117 = vector.broadcast %jit3A_116 : f32 to vector<16x1xf32>
      %select_n3A_118 = arith.select %gt3A_93, %div3A_91, %broadcast_in_dim3A_117 : vector<16x1xi1>, vector<16x1xf32>
      %reduce_max3A_119 = vector.shape_cast %select_n3A_118 : vector<16x1xf32> to vector<1x16x1xf32>
      %reduce_max3A_120 = arith.constant dense<0xFF800000> : vector<1xf32>
      %reduce_max3A_121 = vector.multi_reduction <maximumf>, %reduce_max3A_119, %reduce_max3A_120 [1, 2] : vector<1x16x1xf32> to vector<1xf32>
      %reduce_max3A_122 = vector.shape_cast %reduce_max3A_121 : vector<1xf32> to vector<1x1x1xf32>
      %reduce_max3A_123 = vector.extract %reduce_max3A_122[0, 0, 0] : f32 from vector<1x1x1xf32>
      %ge3A_124 = vector.broadcast %reduce_max3A_123 : f32 to vector<16x1xf32>
      %ge3A_125 = arith.cmpf oge, %select_n3A_118, %ge3A_124 : vector<16x1xf32>
      %jit3A_126 = arith.constant 16 : i32
      %broadcast_in_dim3A_127 = vector.broadcast %jit3A_126 : i32 to vector<16x1xi32>
      %select_n3A_128 = arith.select %ge3A_125, %iota3A_115, %broadcast_in_dim3A_127 : vector<16x1xi1>, vector<16x1xi32>
      %reduce_min3A_129 = vector.shape_cast %select_n3A_128 : vector<16x1xi32> to vector<1x16x1xi32>
      %reduce_min3A_130 = arith.constant dense<2147483647> : vector<1xi32>
      %reduce_min3A_131 = vector.multi_reduction <minsi>, %reduce_min3A_129, %reduce_min3A_130 [1, 2] : vector<1x16x1xi32> to vector<1xi32>
      %reduce_min3A_132 = vector.shape_cast %reduce_min3A_131 : vector<1xi32> to vector<1x1x1xi32>
      %reduce_min3A_133 = vector.extract %reduce_min3A_132[0, 0, 0] : i32 from vector<1x1x1xi32>
      %eq3A_134 = vector.broadcast %reduce_min3A_133 : i32 to vector<16x1xi32>
      %eq3A_135 = arith.cmpi eq, %iota3A_115, %eq3A_134 : vector<16x1xi32>
      %jit3A_136 = arith.constant -1.000000e+30 : f32
      %broadcast_in_dim3A_137 = vector.broadcast %jit3A_136 : f32 to vector<16x1xf32>
      %select_n3A_138 = arith.select %eq3A_135, %broadcast_in_dim3A_137, %select_n3A_118 : vector<16x1xi1>, vector<16x1xf32>
      %reduce_max3A_139 = vector.shape_cast %select_n3A_138 : vector<16x1xf32> to vector<1x16x1xf32>
      %reduce_max3A_140 = arith.constant dense<0xFF800000> : vector<1xf32>
      %reduce_max3A_141 = vector.multi_reduction <maximumf>, %reduce_max3A_139, %reduce_max3A_140 [1, 2] : vector<1x16x1xf32> to vector<1xf32>
      %reduce_max3A_142 = vector.shape_cast %reduce_max3A_141 : vector<1xf32> to vector<1x1x1xf32>
      %reduce_max3A_143 = vector.extract %reduce_max3A_142[0, 0, 0] : f32 from vector<1x1x1xf32>
      %mul3A_144 = arith.constant 5.120000e+02 : f32
      %mul3A_145 = arith.mulf %reduce_sum3A_114, %mul3A_144 : f32
      %gt3A_146 = arith.constant 1.228000e+03 : f32
      %gt3A_147 = arith.cmpf ogt, %mul3A_145, %gt3A_146 : f32
      %gt3A_148 = arith.constant 0.000000e+00 : f32
      %gt3A_149 = arith.cmpf ogt, %reduce_sum3A_114, %gt3A_148 : f32
      %and3A = arith.andi %gt3A_147, %gt3A_149 : i1
      %gt3A_150 = arith.constant 2.000000e+00 : f32
      %gt3A_151 = arith.cmpf ogt, %reduce_sum3A_114, %gt3A_150 : f32
      %and3A_152 = arith.andi %and3A, %gt3A_151 : i1
      %gt3A_153 = vector.broadcast %reduce_max3A_143 : f32 to vector<16x1xf32>
      %gt3A_154 = arith.cmpf ogt, %div3A_91, %gt3A_153 : vector<16x1xf32>
      %convert_element_type3A_155 = arith.extui %gt3A_154 : vector<16x1xi1> to vector<16x1xi32>
      %convert_element_type3A_156 = arith.sitofp %convert_element_type3A_155 : vector<16x1xi32> to vector<16x1xf32>
      %convert_element_type3A_157 = arith.extui %gt3A_93 : vector<16x1xi1> to vector<16x1xi32>
      %convert_element_type3A_158 = arith.sitofp %convert_element_type3A_157 : vector<16x1xi32> to vector<16x1xf32>
      %select_n3A_159 = arith.select %and3A_152, %convert_element_type3A_156, %convert_element_type3A_158 : vector<16x1xf32>
      %gt3A_160 = arith.constant 5.000000e-01 : f32
      %gt3A_161 = vector.broadcast %gt3A_160 : f32 to vector<16x1xf32>
      %gt3A_162 = arith.cmpf ogt, %select_n3A_159, %gt3A_161 : vector<16x1xf32>
      %convert_element_type3A_163 = arith.extui %gt3A_162 : vector<16x1xi1> to vector<16x1xi32>
      %convert_element_type3A_164 = arith.sitofp %convert_element_type3A_163 : vector<16x1xi32> to vector<16x1xf32>
      %iota3A_165 = tpu.iota {dimensions = array<i32: 0>} : vector<16x16xi32>
      %iota3A_166 = tpu.iota {dimensions = array<i32: 1>} : vector<16x16xi32>
      %le3A = arith.cmpi sle, %iota3A_166, %iota3A_165 : vector<16x16xi32>
      %convert_element_type3A_167 = arith.extui %le3A : vector<16x16xi1> to vector<16x16xi32>
      %convert_element_type3A_168 = arith.sitofp %convert_element_type3A_167 : vector<16x16xi32> to vector<16x16xf32>
      %dot_general3A_169 = arith.constant dense<0.000000e+00> : vector<16x1xf32>
      %dot_general3A_170 = tpu.matmul %convert_element_type3A_168, %convert_element_type3A_164, %dot_general3A_169 {dimension_numbers = #tpu.dot_dimension_numbers<[1], [0], [0], [1], [0, 0, 1, 1], [], []>, transpose_lhs_hint = false} : vector<16x16xf32>, vector<16x1xf32>, vector<16x1xf32> -> vector<16x1xf32>
      %sub3A_171 = arith.subf %dot_general3A_170, %convert_element_type3A_164 : vector<16x1xf32>
      %lt3A = arith.constant 2.000000e+00 : f32
      %lt3A_172 = vector.broadcast %lt3A : f32 to vector<16x1xf32>
      %lt3A_173 = arith.cmpf olt, %sub3A_171, %lt3A_172 : vector<16x1xf32>
      %and3A_174 = arith.andi %gt3A_162, %lt3A_173 : vector<16x1xi1>
      %not3A = arith.constant dense<true> : vector<16x1xi1>
      %not3A_175 = arith.xori %and3A_174, %not3A : vector<16x1xi1>
      %and3A_176 = arith.andi %gt3A_162, %not3A_175 : vector<16x1xi1>
      %not3A_177 = arith.constant dense<true> : vector<16x1xi1>
      %not3A_178 = arith.xori %gt3A_93, %not3A_177 : vector<16x1xi1>
      %or3A = arith.ori %and3A_176, %not3A_178 : vector<16x1xi1>
      %jit3A_179 = arith.constant 0.000000e+00 : f32
      %broadcast_in_dim3A_180 = vector.shape_cast %or3A : vector<16x1xi1> to vector<16x1xi1>
      %broadcast_in_dim3A_181 = vector.broadcast %broadcast_in_dim3A_180 : vector<16x1xi1> to vector<16x16xi1>
      %broadcast_in_dim3A_182 = vector.broadcast %jit3A_179 : f32 to vector<16x16xf32>
      %select_n3A_183 = arith.select %broadcast_in_dim3A_181, %select_n3A_107, %broadcast_in_dim3A_182 : vector<16x16xi1>, vector<16x16xf32>
      %convert_element_type3A_184 = arith.sitofp %iota3A_115 : vector<16x1xi32> to vector<16x1xf32>
      %iota3A_185 = tpu.iota {dimensions = array<i32: 1>} : vector<16x2xi32>
      %convert_element_type3A_186 = arith.sitofp %iota3A_185 : vector<16x2xi32> to vector<16x2xf32>
      %eq3A_187 = vector.broadcast %sub3A_171 : vector<16x1xf32> to vector<16x2xf32>
      %eq3A_188 = arith.cmpf oeq, %eq3A_187, %convert_element_type3A_186 : vector<16x2xf32>
      %and3A_189 = vector.broadcast %and3A_174 : vector<16x1xi1> to vector<16x2xi1>
      %and3A_190 = arith.andi %and3A_189, %eq3A_188 : vector<16x2xi1>
      %jit3A_191 = arith.constant 0.000000e+00 : f32
      %broadcast_in_dim3A_192 = vector.shape_cast %convert_element_type3A_184 : vector<16x1xf32> to vector<16x1xf32>
      %broadcast_in_dim3A_193 = vector.broadcast %broadcast_in_dim3A_192 : vector<16x1xf32> to vector<16x2xf32>
      %broadcast_in_dim3A_194 = vector.broadcast %jit3A_191 : f32 to vector<16x2xf32>
      %select_n3A_195 = arith.select %and3A_190, %broadcast_in_dim3A_193, %broadcast_in_dim3A_194 : vector<16x2xi1>, vector<16x2xf32>
      %reduce_sum3A_196 = arith.constant dense<0.000000e+00> : vector<2xf32>
      %reduce_sum3A_197 = vector.multi_reduction <add>, %select_n3A_195, %reduce_sum3A_196 [0] : vector<16x2xf32> to vector<2xf32>
      %broadcast_in_dim3A_198 = vector.shape_cast %reduce_sum3A_197 : vector<2xf32> to vector<1x2xf32>
      %convert_element_type3A_199 = arith.fptosi %broadcast_in_dim3A_198 : vector<1x2xf32> to vector<1x2xi32>
      %convert_element_type3A_200 = arith.extui %and3A_190 : vector<16x2xi1> to vector<16x2xi32>
      %convert_element_type3A_201 = arith.sitofp %convert_element_type3A_200 : vector<16x2xi32> to vector<16x2xf32>
      %reduce_sum3A_202 = arith.constant dense<0.000000e+00> : vector<2xf32>
      %reduce_sum3A_203 = vector.multi_reduction <add>, %convert_element_type3A_201, %reduce_sum3A_202 [0] : vector<16x2xf32> to vector<2xf32>
      %broadcast_in_dim3A_204 = vector.shape_cast %reduce_sum3A_203 : vector<2xf32> to vector<1x2xf32>
      %convert_element_type3A_205 = arith.fptosi %broadcast_in_dim3A_204 : vector<1x2xf32> to vector<1x2xi32>
      %jit3A_206 = arith.constant 16 : i32
      %broadcast_in_dim3A_207 = vector.broadcast %jit3A_206 : i32 to vector<16x1xi32>
      %select_n3A_208 = arith.select %and3A_174, %broadcast_in_dim3A_207, %iota3A_115 : vector<16x1xi1>, vector<16x1xi32>
      %reduce_min3A_209 = vector.shape_cast %select_n3A_208 : vector<16x1xi32> to vector<1x16x1xi32>
      %reduce_min3A_210 = arith.constant dense<2147483647> : vector<1xi32>
      %reduce_min3A_211 = vector.multi_reduction <minsi>, %reduce_min3A_209, %reduce_min3A_210 [1, 2] : vector<1x16x1xi32> to vector<1xi32>
      %reduce_min3A_212 = vector.shape_cast %reduce_min3A_211 : vector<1xi32> to vector<1x1x1xi32>
      %reduce_min3A_213 = vector.extract %reduce_min3A_212[0, 0, 0] : i32 from vector<1x1x1xi32>
      %gt3A_214 = arith.constant 0 : i32
      %gt3A_215 = vector.broadcast %gt3A_214 : i32 to vector<1x2xi32>
      %gt3A_216 = arith.cmpi sgt, %convert_element_type3A_205, %gt3A_215 : vector<1x2xi32>
      %broadcast_in_dim3A_217 = vector.broadcast %reduce_min3A_213 : i32 to vector<1x2xi32>
      %select_n3A_218 = arith.select %gt3A_216, %convert_element_type3A_199, %broadcast_in_dim3A_217 : vector<1x2xi1>, vector<1x2xi32>
      %swap3A_219 = arith.constant 0 : index
      %swap3A_220 = arith.constant 0 : index
      %swap3A_221 = vector.load %arg8[%swap3A_219, %swap3A_220] : memref<16x16xf32, #tpu.memory_space<vmem>>, vector<16x16xf32>
      tpu.vector_store %arg8[%swap3A_219, %swap3A_220], %select_n3A_183 {strides = array<i32>} : memref<16x16xf32, #tpu.memory_space<vmem>>, vector<16x16xf32>,
      %swap3A_222 = arith.constant 0 : index
      %swap3A_223 = arith.constant 0 : index
      %swap3A_224 = vector.load %arg9[%swap3A_222, %swap3A_223] : memref<1x2xi32, #tpu.memory_space<vmem>>, vector<1x2xi32>
      tpu.vector_store %arg9[%swap3A_222, %swap3A_223], %convert_element_type3A_199 {strides = array<i32>} : memref<1x2xi32, #tpu.memory_space<vmem>>, vector<1x2xi32>,
      %swap3A_225 = arith.constant 0 : index
      %swap3A_226 = arith.constant 0 : index
      %swap3A_227 = vector.load %arg10[%swap3A_225, %swap3A_226] : memref<1x2xi32, #tpu.memory_space<vmem>>, vector<1x2xi32>
      tpu.vector_store %arg10[%swap3A_225, %swap3A_226], %convert_element_type3A_205 {strides = array<i32>} : memref<1x2xi32, #tpu.memory_space<vmem>>, vector<1x2xi32>,
      %swap3A_228 = arith.constant 0 : index
      %swap3A_229 = arith.constant 0 : index
      %swap3A_230 = vector.load %arg11[%swap3A_228, %swap3A_229] : memref<1x2xi32, #tpu.memory_space<vmem>>, vector<1x2xi32>
      tpu.vector_store %arg11[%swap3A_228, %swap3A_229], %select_n3A_218 {strides = array<i32>} : memref<1x2xi32, #tpu.memory_space<vmem>>, vector<1x2xi32>,
    } else {
    }
    return
  }
  func.func @transform_0(%arg0: i32) -> (i32, i32, i32) {
    %c0_i32 = arith.constant 0 : i32
    %c0_i32_0 = arith.constant 0 : i32
    %c0_i32_1 = arith.constant 0 : i32
    return %arg0, %c0_i32, %c0_i32_0 : i32, i32, i32
  }
  func.func @transform_1(%arg0: i32) -> (i32, i32) {
    %c0_i32 = arith.constant 0 : i32
    %c0_i32_0 = arith.constant 0 : i32
    %c0_i32_1 = arith.constant 0 : i32
    return %c0_i32, %c0_i32_0 : i32, i32
  }
  func.func @transform_2(%arg0: i32) -> (i32, i32) {
    %c0_i32 = arith.constant 0 : i32
    %c0_i32_0 = arith.constant 0 : i32
    %c0_i32_1 = arith.constant 0 : i32
    return %c0_i32, %c0_i32_0 : i32, i32
  }
  func.func @transform_3(%arg0: i32) -> (i32, i32) {
    %c0_i32 = arith.constant 0 : i32
    %c0_i32_0 = arith.constant 0 : i32
    %c0_i32_1 = arith.constant 0 : i32
    return %c0_i32, %c0_i32_0 : i32, i32
  }
  func.func @transform_4(%arg0: i32) -> (i32, i32) {
    %c0_i32 = arith.constant 0 : i32
    %c0_i32_0 = arith.constant 0 : i32
    %c0_i32_1 = arith.constant 0 : i32
    return %c0_i32, %c0_i32_0 : i32, i32
  }
  func.func @transform_5(%arg0: i32) -> (i32, i32) {
    %c0_i32 = arith.constant 0 : i32
    %c0_i32_0 = arith.constant 0 : i32
    %c0_i32_1 = arith.constant 0 : i32
    return %c0_i32, %c0_i32_0 : i32, i32
  }
  func.func @transform_6(%arg0: i32) -> (i32, i32) {
    %c0_i32 = arith.constant 0 : i32
    %c0_i32_0 = arith.constant 0 : i32
    %c0_i32_1 = arith.constant 0 : i32
    return %c0_i32, %c0_i32_0 : i32, i32
  }
  func.func @transform_7(%arg0: i32) -> (i32, i32) {
    %c0_i32 = arith.constant 0 : i32
    %c0_i32_0 = arith.constant 0 : i32
    %c0_i32_1 = arith.constant 0 : i32
    return %c0_i32, %c0_i32_0 : i32, i32
  }
  func.func @transform_8(%arg0: i32) -> (i32, i32) {
    %c0_i32 = arith.constant 0 : i32
    %c0_i32_0 = arith.constant 0 : i32
    %c0_i32_1 = arith.constant 0 : i32
    return %c0_i32, %c0_i32_0 : i32, i32
  }
  func.func @transform_9(%arg0: i32) -> (i32, i32) {
    %c0_i32 = arith.constant 0 : i32
    %c0_i32_0 = arith.constant 0 : i32
    %c0_i32_1 = arith.constant 0 : i32
    return %c0_i32, %c0_i32_0 : i32, i32
  }
  func.func @transform_10(%arg0: i32) -> (i32, i32) {
    %c0_i32 = arith.constant 0 : i32
    %c0_i32_0 = arith.constant 0 : i32
    %c0_i32_1 = arith.constant 0 : i32
    return %c0_i32, %c0_i32_0 : i32, i32
  }
}

module attributes {stable_mosaic.version = 14 : i64} {
  func.func @_scatter_body(%arg0: i32, %arg1: memref<2xi32, #tpu.memory_space<smem>>, %arg2: memref<2xi32, #tpu.memory_space<smem>>, %arg3: memref<16x16xf32, #tpu.memory_space<vmem>>, %arg4: memref<512x16xf32, #tpu.memory_space<vmem>>, %arg5: memref<16x512x16xf32, #tpu.memory_space<hbm>>, %arg6: memref<1x512x16xf32, #tpu.memory_space<vmem>>) attributes {dimension_semantics = [#tpu.dimension_semantics<arbitrary>], iteration_bounds = array<i64: 2>, scalar_prefetch = 2 : i64, scratch_operands = 0 : i64, tpu.core_type = #tpu.core_type<tc>, window_params = [{pipeline_mode = #tpu.pipeline_mode<synchronous>, transform_indices = @transform_0, window_bounds = array<i64: 16, 16>}, {transform_indices = @transform_1, window_bounds = array<i64: 512, 16>}, {}, {transform_indices = @transform_3, window_bounds = array<i64: 1, 512, 16>}]} {
    %get3A = arith.index_cast %arg0 : i32 to index
    %get3A_0 = memref.load %arg1[%get3A] : memref<2xi32, #tpu.memory_space<smem>>
    %get3A_1 = arith.index_cast %get3A_0 : i32 to index
    %get3A_2 = arith.constant 0 : index
    %get3A_3 = vector.load %arg3[%get3A_1, %get3A_2] : memref<16x16xf32, #tpu.memory_space<vmem>>, vector<1x16xf32>
    %get3A_4 = arith.index_cast %arg0 : i32 to index
    %get3A_5 = memref.load %arg2[%get3A_4] : memref<2xi32, #tpu.memory_space<smem>>
    %gt3A = arith.constant 0 : i32
    %gt3A_6 = arith.cmpi sgt, %get3A_5, %gt3A : i32
    %get3A_7 = arith.constant 0 : index
    %get3A_8 = arith.constant 0 : index
    %get3A_9 = vector.load %arg4[%get3A_7, %get3A_8] : memref<512x16xf32, #tpu.memory_space<vmem>>, vector<512x16xf32>
    %broadcast_in_dim3A = vector.shape_cast %get3A_3 : vector<1x16xf32> to vector<1x16xf32>
    %broadcast_in_dim3A_10 = vector.broadcast %broadcast_in_dim3A : vector<1x16xf32> to vector<512x16xf32>
    %select_n3A = arith.select %gt3A_6, %get3A_9, %broadcast_in_dim3A_10 : vector<512x16xf32>
    %broadcast_in_dim3A_11 = vector.shape_cast %select_n3A : vector<512x16xf32> to vector<1x512x16xf32>
    %swap3A = arith.constant 0 : index
    %swap3A_12 = arith.constant 0 : index
    %swap3A_13 = arith.constant 0 : index
    %swap3A_14 = vector.load %arg6[%swap3A, %swap3A_12, %swap3A_13] : memref<1x512x16xf32, #tpu.memory_space<vmem>>, vector<1x512x16xf32>
    tpu.vector_store %arg6[%swap3A, %swap3A_12, %swap3A_13], %broadcast_in_dim3A_11 {strides = array<i32>} : memref<1x512x16xf32, #tpu.memory_space<vmem>>, vector<1x512x16xf32>,
    return
  }
  func.func @transform_0(%arg0: i32, %arg1: memref<2xi32, #tpu.memory_space<smem>>, %arg2: memref<2xi32, #tpu.memory_space<smem>>) -> (i32, i32) {
    %c0_i32 = arith.constant 0 : i32
    %c0_i32_0 = arith.constant 0 : i32
    %c0_i32_1 = arith.constant 0 : i32
    return %c0_i32, %c0_i32_0 : i32, i32
  }
  func.func @transform_1(%arg0: i32, %arg1: memref<2xi32, #tpu.memory_space<smem>>, %arg2: memref<2xi32, #tpu.memory_space<smem>>) -> (i32, i32) {
    %c0_i32 = arith.constant 0 : i32
    %c0_i32_0 = arith.constant 0 : i32
    return %arg0, %c0_i32 : i32, i32
  }
  func.func @transform_3(%arg0: i32, %arg1: memref<2xi32, #tpu.memory_space<smem>>, %arg2: memref<2xi32, #tpu.memory_space<smem>>) -> (i32, i32, i32) {
    %get3A = arith.index_cast %arg0 : i32 to index
    %get3A_0 = memref.load %arg1[%get3A] : memref<2xi32, #tpu.memory_space<smem>>
    %c0_i32 = arith.constant 0 : i32
    %c0_i32_1 = arith.constant 0 : i32
    %c0_i32_2 = arith.constant 0 : i32
    return %get3A_0, %c0_i32, %c0_i32_1 : i32, i32, i32
  }
}

</mosaic_0001>

<sc_bundles>
// kernel: kernel.6.cloned.1.call-start
scs
__scs_entry_jumppad:
0x0: {  	(pc) =	sbr.rel $0x88, $3  }
0x1: {  	(tag) =	ssettag $0x0;
	lr =	simm.s32 $0x1  }
0x2: {  	[smem:$0x3F96] =	sst lr;
	_ =	strace $0xD0000000  }
0x3: {  	_ = 	snop  }
0x4: {  	_ = 	snop  }
0x5: {  	_ = 	snop  }
0x6: {  	_ = 	snop  }
0x7: {  	_ = 	snop  }
__scs_overlays_trampoline_lowered:
0x8: {  	[smem:$0x3FA5] =	sst s0  }
0x9: {  	[smem:$0x3FA6] =	sst s1  }
0xa: {  	[smem:$0x3FA7] =	sst s2  }
0xb: {  	[smem:$0x3FA8] =	sst s3  }
0xc: {  	[smem:$0x3FA9] =	sst s4  }
0xd: {  	[smem:$0x3FAA] =	sst s5  }
0xe: {  	[smem:$0x3FAB] =	sst s6  }
0xf: {  	[smem:$0x3FAC] =	sst s7  }
0x10: {  	[smem:$0x3FAD] =	sst s8  }
0x11: {  	[smem:$0x3FAE] =	sst s9;
	s0 =	simm.s32 @!p0 $0x0  }
0x12: {  	s1 =	sld [smem:$0x3F94];
	s0 =	simm.s32 @p0 $0x1  }
0x13: {  	[smem:$0x3FAF] =	sst s0;
	s0 =	simm.s32 @!p1 $0x0  }
0x14: {  	s2 =	sld [smem:$0x3F93];
	s0 =	simm.s32 @p1 $0x1  }
0x15: {  	[smem:$0x3FB0] =	sst s0;
	s0 =	simm.s32 @!p2 $0x0  }
0x16: {  	s3 =	sld [smem:$0x3FDB];
	s0 =	simm.s32 @p2 $0x1  }
0x17: {  	s4 =	simm.s32 $0x1BF5;
	[smem:$0x3FB2] =	sst s0  }
0x18: {  	s0 =	sld [smem:$0x3F95];
	_ =	swait.ge [sflag:s4], $0x0  }
0x19: {  	s7 =	sld [smem:$0x3F96]  }
0x1a: {  	s8 =	sadd.s32 $0xFFFFE003, lr  }
0x1b: {  	s9 =	sadd.s32 $0xFFFFFEF7, lr;
	s5 =	simm.s32 $0xFFFFFFFF;
	p2 =	slt.u32 s8, $0xFFFFF086  }
0x1c: {  	p1 =	slt.u32 s9, $0xF7A;
	s5 =	simm.s32 @!p2 $0x0  }
0x1d: {  	s5 =	simm.s32 @p1 $0x1;
	p0 =	seq.s32 s7, s2  }
0x1e: {  	s7 =	smul.u32 @!p0 $0xF7A, s2;
	p2 =	seq.s32 @!p0 s5, $0x0  }
0x1f: {  	s9 =	smul.u32 $0xF7A, s1;
	s8 =	simm.s32 @!p0 $0x1BF5;
	p2 =	por !p2, p0  }
0x20: {  	[sflag:s8] =	ssyncset.s32 @!p0 $0xFFFFF086;
	s6 =	sadd.s32 @!p0 s3, s7;
	s7 =	simm.s32 @!p0 $0x108  }
0x21: {  	s3 =	sadd.s32 s3, s9;
	s6 =	sadd.s32 @!p0 $0x88, s6;
	s7 =	simm.s32 @p2 $0x1082  }
0x22: {  	[simem:s7], [sflag:s8] =	dma.local @!p0 [hbm:s6], $0xF7A  }
0x23: {  	s9 =	sor.u32 $0xD0000000, s2;
	s6 =	simm.s32 $0x108;
	_ =	swait.ge @!p0 [sflag:s8], $0x0  }
0x24: {  	s3 =	sadd.s32 $0x88, s3;
	s6 =	simm.s32 @!p1 $0x1082;
	[sflag:s4] =	ssyncset.s32 $0xFFFFF086  }
0x25: {  	[simem:s6], [sflag:s4] =	dma.local [hbm:s3], $0xF7A  }
0x26: {  	[smem:$0x3F96] =	sst s1;
	(tag) =	ssettag s2;
	_ =	strace s9  }
0x27: {  	s1 =	sld [smem:$0x3FA6]  }
0x28: {  	s2 =	sld [smem:$0x3FA7]  }
0x29: {  	s4 =	sld [smem:$0x3FA9]  }
0x2a: {  	p0 =	seq.s32 s5, $0x0;
	s5 =	sld [smem:$0x3FAA]  }
0x2b: {  	s6 =	sld [smem:$0x3FAB]  }
0x2c: {  	s7 =	sld [smem:$0x3FAC]  }
0x2d: {  	s3 =	simm.s32 $0x108;
	s8 =	sld [smem:$0x3FAD]  }
0x2e: {  	s3 =	simm.s32 @!p0 $0x1082;
	s9 =	sld [smem:$0x3FAE]  }
0x2f: {  	lr =	sadd.s32 s0, s3;
	s0 =	sld [smem:$0x3FA5]  }
0x30: {  	s3 =	sld [smem:$0x3FA8]  }
0x31: {  	[smem:$0x3FB1] =	sst s10  }
0x32: {  	s10 =	sld [smem:$0x3FAF];
	_ =	sdelay $0x3  }
0x33: {  	p0 =	seq.s32 s10, $0x1;
	s10 =	sld [smem:$0x3FB1];
	_ =	sdelay $0x3  }
0x34: {  	[smem:$0x3FB1] =	sst s10  }
0x35: {  	s10 =	sld [smem:$0x3FB0];
	_ =	sdelay $0x3  }
0x36: {  	p1 =	seq.s32 s10, $0x1;
	s10 =	sld [smem:$0x3FB1];
	_ =	sdelay $0x3  }
0x37: {  	[smem:$0x3FB1] =	sst s10  }
0x38: {  	s10 =	sld [smem:$0x3FB2]  }
0x39: {  	_ = 	snop;
	(pc) =	sbr.ind lr, $3  }
0x3a: {  	_ = 	snop  }
0x3b: {  	_ = 	snop  }
0x3c: {  	p2 =	seq.s32 s10, $0x1;
	s10 =	sld [smem:$0x3FB1]  }
0x3d: {  	_ =	shalt  }
0x3e: {  	_ =	shalt  }
0x3f: {  	_ =	shalt  }
0x40: {  	_ =	shalt  }
0x41: {  	_ =	shalt  }
0x42: {  	_ =	shalt  }
0x43: {  	_ =	shalt  }
0x44: {  	_ =	shalt  }
0x45: {  	_ =	shalt  }
0x46: {  	_ =	shalt  }
0x47: {  	_ =	shalt  }
0x48: {  	_ =	shalt  }
0x49: {  	_ =	shalt  }
0x4a: {  	_ =	shalt  }
0x4b: {  	_ =	shalt  }
0x4c: {  	_ =	shalt  }
0x4d: {  	_ =	shalt  }
0x4e: {  	_ =	shalt  }
0x4f: {  	_ =	shalt  }
0x50: {  	_ =	shalt  }
0x51: {  	_ =	shalt  }
0x52: {  	_ =	shalt  }
0x53: {  	_ =	shalt  }
0x54: {  	_ =	shalt  }
0x55: {  	_ =	shalt  }
0x56: {  	_ =	shalt  }
0x57: {  	_ =	shalt  }
0x58: {  	_ =	shalt  }
0x59: {  	_ =	shalt  }
0x5a: {  	_ =	shalt  }
0x5b: {  	_ =	shalt  }
0x5c: {  	_ =	shalt  }
0x5d: {  	_ =	shalt  }
0x5e: {  	_ =	shalt  }
0x5f: {  	_ =	shalt  }
0x60: {  	_ =	shalt  }
0x61: {  	_ =	shalt  }
0x62: {  	_ =	shalt  }
0x63: {  	_ =	shalt  }
0x64: {  	_ =	shalt  }
0x65: {  	_ =	shalt  }
0x66: {  	_ =	shalt  }
0x67: {  	_ =	shalt  }
0x68: {  	_ =	shalt  }
0x69: {  	_ =	shalt  }
0x6a: {  	_ =	shalt  }
0x6b: {  	_ =	shalt  }
0x6c: {  	_ =	shalt  }
0x6d: {  	_ =	shalt  }
0x6e: {  	_ =	shalt  }
0x6f: {  	_ =	shalt  }
0x70: {  	_ =	shalt  }
0x71: {  	_ =	shalt  }
0x72: {  	_ =	shalt  }
0x73: {  	_ =	shalt  }
0x74: {  	_ =	shalt  }
0x75: {  	_ =	shalt  }
0x76: {  	_ =	shalt  }
0x77: {  	_ =	shalt  }
0x78: {  	_ =	shalt  }
0x79: {  	_ =	shalt  }
0x7a: {  	_ =	shalt  }
0x7b: {  	_ =	shalt  }
0x7c: {  	_ =	shalt  }
0x7d: {  	_ =	shalt  }
0x7e: {  	_ =	shalt  }
0x7f: {  	_ =	shalt  }
0x80: {  	_ =	shalt  }
0x81: {  	_ =	shalt  }
0x82: {  	_ =	shalt  }
0x83: {  	_ =	shalt  }
0x84: {  	_ =	shalt  }
0x85: {  	_ =	shalt  }
0x86: {  	_ =	shalt  }
0x87: {  	_ =	shalt  }
.Lfunc_end0:
.L_simem_size_0:
called_computation_lowered:
.L_overlay_start_0:
0x88: {  	s2 =	sld [smem:$0x3FD9]  }
0x89: {  	s3 =	sld [smem:$0x3FFE];
	_ =	sdelay $0x1  }
0x8a: {  	s1 =	srdreg.scid  }
0x8b: {  	s0 =	sand.u32 $0x1, s1  }
0x8c: {  	s14 =	sshll.u32 s0, $0xA;
	s2 =	sadd.s32 s3, s2  }
0x8d: {  	s2 =	sadd.s32 s2, s14  }
0x8e: {  	[smem:$0x3FBD] =	sst s2  }
0x8f: {  	_ = 	snop  }
0x90: {  	s2 =	sld [smem:$0x3FD0];
	_ =	sdelay $0x2  }
0x91: {  	s15 =	simm.s32 $0xA;
	s4 =	simm.s32 $0x10  }
0x92: {  	[smem:s4], [sflag:s15] =	dma.local [hbm:s2], $0x1  }
0x93: {  	_ =	swait.eq [sflag:s15], $0x1  }
0x94: {  	[sflag:s15] =	ssyncset.done $0x0  }
0x95: {  	[sflag:s15] =	ssyncadd.s32 $0xFFFFFFFF  }
0x96: {  	s16 =	sld [smem:$0x10];
	(tm) =	ssettm $0x1  }
0x97: {  	s17 =	sld [smem:$0x3FFB];
	_ =	sdelay $0x3  }
0x98: {  	_ =	strace s17  }
0x99: {  	s3 =	sld [smem:$0x3FFC];
	_ =	sdelay $0x3  }
0x9a: {  	_ =	strace s3  }
0x9b: {  	s3 =	sld [smem:$0x3FFD];
	_ =	sdelay $0x3  }
0x9c: {  	_ =	strace s3  }
0x9d: {  	_ =	strace $0x8FFFFFFF  }
0x9e: {  	s18 =	sld [smem:$0x3FDB];
	_ =	sdelay $0x1  }
0x9f: {  	s19 =	simm.s32 $_scs_section_size  }
0xa0: {  	s5 =	simm.s32 $_size__tile_overlayer_lowered;
	s6 =	simm.s32 $_tile_overlayer_lowered  }
0xa1: {  	s22 =	simm.s32 $0x1BFF;
	s21 =	sshll.u32 s6, $0x1;
	s3 =	sadd.s32 s19, s18  }
0xa2: {  	s7 =	simm.s32 $0x0;
	s20 =	sshll.u32 s5, $0x1;
	s5 =	sadd.s32 s21, s3  }
0xa3: {  	[timem:s7], [sflag:s22] =	dma.local [hbm:s5], s20  }
0xa4: {  	_ =	swait.ge [sflag:s22], s20  }
0xa5: {  	s4 =	ssub.s32 $0x0, s20;
	[sflag:s22] =	ssyncset.done $0x0  }
0xa6: {  	[sflag:s22] =	ssyncadd.s32 s4;
	_ =	sdelay $0x1  }
0xa7: {  	s23 =	simm.s32 $0x1B8B  }
0xa8: {  	_ =	swait.ge [sflag:s23], $0x1  }
0xa9: {  	[sflag:s23] =	ssyncset.done $0x0  }
0xaa: {  	s25 =	simm.s32 $0x1B8E;
	s24 =	sld [smem:$0x3FFE];
	[sflag:s23] =	ssyncadd.s32 $0xFFFFFFFF  }
0xab: {  	s26 =	simm.s32 $execute0_lowered;
	[smem:$0x3FD2] =	sst s25  }
0xac: {  	s5 =	sshll.u32 s26, $0x1;
	_ =	strace $0x80000046;
	[dreg:$0x1] =	wrdreg $0xFFFFFFFF  }
0xad: {  	s28 =	simm.s32 $_size_execute0_lowered;
	s3 =	sadd.s32 s3, s5;
	[dreg:$0x0] =	wrdreg $0x0  }
0xae: {  	s5 =	sshll.u32 s28, $0x1;
	[dreg:$0x2] =	wrdreg s3  }
0xaf: {  	[dreg:$0x3] =	wrdreg s5  }
0xb0: {  	[dreg:$0x4] =	wrdreg $0xC0  }
0xb1: {  	_ =	task [dreg:s7], $0x5FFFF  }
0xb2: {  	[dreg:$0x1] =	wrdreg $0xFFFFFFFF  }
0xb3: {  	[dreg:$0x0] =	wrdreg $0x60  }
0xb4: {  	[dreg:$0x2] =	wrdreg s16  }
0xb5: {  	[dreg:$0x3] =	wrdreg s24  }
0xb6: {  	[dreg:$0x4] =	wrdreg $0x9  }
0xb7: {  	_ =	task.clear_ibuf [dreg:s7], $0x5FFFF;
	_ =	strace $0x90000046  }
0xb8: {  	s29 =	simm.s32 $0x9;
	_ =	strace $0x80000048  }
0xb9: {  	_ =	swait.ge [sflag:s29], $0x1  }
0xba: {  	[sflag:s29] =	ssyncadd.s32 $0xFFFFFFFF  }
0xbb: {  	_ =	strace $0x90000048  }
0xbc: {  	_ =	sfence  }
0xbd: {  	s30 =	sld [smem:$0x0];
	_ =	sdelay $0x2  }
0xbe: {  	s31 =	sshll.u32 s1, $0xD;
	s1 =	sshrl.u32 s1, $0x2  }
0xbf: {  	s3 =	sand.u32 $0x4000, s31;
	s1 =	sadd.s32 s1, s30  }
0xc0: {  	s0 =	sor.u32 s3, s0;
	s1 =	sshll.u32 s1, $0x11  }
0xc1: {  	s0 =	sor.u32 s1, s0  }
0xc2: {  	s0 =	sadd.s32 $0x8F2B, s0  }
0xc3: {  	[sflag:s0] =	ssyncadd.remote.s32 $0x1  }
0xc4: {  	_ =	sfence.sel $0xFFFF  }
0xc5: {  	[dreg:$0x0] =	wrdreg $0xFFFFFFFF;
	(pc) =	sbr.abs _section_cstart, $3  }
0xc6: {  	[dreg:$0x1] =	wrdreg $0xFFFFFFFF  }
0xc7: {  	_ =	task.clear_ibuf [dreg:s7], $0x2FFFF;
	_ =	strace $0x9FFFFFFF  }
0xc8: {  	(tm) =	ssettm $0x7FFFFFFF  }
0xc9: {  	_ =	shalt  }
tec
execute0_lowered:
.L_overlay_start_1:
0x0: {  	(tag) =	ssettag $0x1  }
0x1: {  	s1 =	srdreg.scid;
	s0 =	stileid.u32  }
0x2: {  	s4 =	rddreg [dreg:$0x0];
	s3 =	sand.u32 $0x1, s1;
	s30 =	sshll.u32 s0, $0x1  }
0x3: {  	s6 =	rddreg [dreg:$0x1];
	s5 =	sor.u32 s3, s30  }
0x4: {  	s2 =	simm.s32 $0x0;
	p1 =	seq.s32 s3, $0x1;
	p0 =	seq.s32 s5, $0x0  }
0x5: {  	s7 =	simm.s32 $0x1;
	[smem:$0x7FF] =	sst s2;
	p0 =	por !p0, !p1  }
0x6: {  	s1 =	rddreg [dreg:$0x2];
	_ =	strace $0x80000047;
	p0 =	por !p0, !p0  }
0x7: {  	s3 =	ssub.s32 $0x2, s3;
	s5 =	sshll.u32 s5, $0xC;
	s7 =	simm.s32 @!p0 $0x0  }
0x8: {  	s8 =	sshrl.u32 s3, $0x1;
	s5 =	sadd.s32 s5, s6;
	s7 =	ssub.s32 s0, s7  }
0x9: {  	s31 =	ssub.s32 s3, s8;
	s3 =	simm.s32 $0x1;
	s7 =	sshll.u32 s7, $0x4  }
0xa: {  	s8 =	simm.s32 $0x0;
	s5 =	sadd.s32 $0x1E00, s5;
	s7 =	sand.u32 $0x1FFFFFF0, s7  }
0xb: {  	s6 =	smax.u32 s31, $0x1;
	s4 =	sadd.s32 s4, s7;
	s7 =	simm.s32 $0x80  }
.LBB2_1:
0xc: {  	[tilespmem:s2], [sflag:$0x1] =	stream.linear.gather [hbm4b:s4+s2], $0x80, $0x38;
	[tilespmem:$0x8080] =	vst v63  }
0xd: {  	_ =	swait.ge [sflag:s3], $0x80  }
0xe: {  	[sflag:s3] =	ssyncset.done $0x0  }
0xf: {  	[sflag:s3] =	ssyncadd.s32 $0xFFFFFF80  }
0x10: {  	v0 =	vld [tilespmem:$0x0];
	_ =	sdelay $0x3  }
0x11: {  	s9 =	simm.s32 $0x200;
	s10 =	simm.s32 $0x0  }
.LBB2_2:
0x12: {  	p0 =	sne.s32 s9, $0x1FE00;
	[tilespmem:s10+$0x80] =	vst v0;
	s10 =	smov.u32 s9;
	s9 =	sadd.s32 $0x200, s9  }
.Ltmp0:
0x13: {  	(pc) =	sbr.rel @p0 .LBB2_2-.Ltmp0, $2  }
0x14: {  	_ =	sdelay $0x2  }
0x15: {  	s10 =	sshra.s32 s10, $0x2  }
0x16: {  	s8 =	sadd.s32 $0x1, s8  }
0x17: {  	p0 =	sne.s32 s8, s6  }
.Ltmp1:
0x18: {  	[tilespmem:s10+$0x80] =	vst v0;
	(pc) =	sbr.rel @p0 .LBB2_1-.Ltmp1, $4  }
0x19: {  	[hbm4b:s5+s2] =	stream.linear.scatter [tilespmem:s7], [sflag:$0x1], $0x8000, $0x38;
	[tilespmem:$0x8080] =	vst v63  }
0x1a: {  	_ =	swait.ge [sflag:s3], $0x8000  }
0x1b: {  	[sflag:s3] =	ssyncset.done $0x0  }
0x1c: {  	[sflag:s3] =	ssyncadd.s32 $0xFFFF8000  }
0x1d: {  	_ =	sfence.sel $0x180000  }
0x1e: {  	[bflag:$0x0] =	sbarrier.arrive $0xFFFF  }
0x1f: {  	p0 =	sne.s32 s0, $0x0;
	_ =	strace $0x90000047  }
0x20: {  	s0 =	sadd.s32 @!p0 $0x100000, s1;
	[bflag:$0x2] =	sbarrier.arrive $0xFFFF  }
0x21: {  	[sflag:s0] =	ssyncadd.tile.s32 @!p0 $0x1;
	_ =	shalt  }
.Lfunc_end2:
_tile_overlayer_lowered:
.L_overlay_start_2:
0x22: {  	(tag) =	ssettag $0x2  }
0x23: {  	s0 =	rddreg [dreg:$0x0];
	s2 =	stileid.u32  }
0x24: {  	s1 =	rddreg [dreg:$0x1];
	p0 =	sne.s32 s2, $0x0  }
0x25: {  	s3 =	rddreg [dreg:$0x2];
	[bflag:$0x3] =	sbarrier.arrive $0xFFFF;
	s2 =	simm.s32 @!p0 $0x1C01  }
0x26: {  	[timem:s3], [sflag:s2] =	dma.local @!p0 [hbm:s0], s1  }
0x27: {  	s0 =	simm.s32 @!p0 $0x1  }
0x28: {  	_ =	swait.ge @!p0 [sflag:s0], s1  }
0x29: {  	s1 =	ssub.s32 @!p0 $0x0, s1;
	[sflag:s0] =	ssyncset.done @!p0 $0x0  }
0x2a: {  	[sflag:s0] =	ssyncadd.s32 @!p0 s1  }
0x2b: {  	[bflag:$0x3] =	sbarrier.arrive $0xFFFF  }
0x2c: {  	_ =	shalt  }

</sc_bundles>
